<compile_context>
chip_gen: v7x
topology: tpu7x:2x2x1
jax: 0.10.2.dev20260603
libtpu: 0.0.44.dev20260713+nightly
codegen_flags: <defaults>
</compile_context>

<pallas_src>
import functools

import jax
import jax.numpy as jnp
from jax import lax
from jax.experimental import pallas as pl
from jax.experimental.pallas import tpu as pltpu
from jax.experimental.pallas import tpu_sc as plsc

N = 10000
E = 320000
D = 128
G = 64
NC = 2
NS = 16
NW = NC * NS
CH = 128
CPW = 80
CPH = CPW // 2
EPW = CPW * CH
E_PAD = NW * EPW
NT = 10112
RPT = NT // NS

_mesh = plsc.VectorSubcoreMesh(core_axis_name="c", subcore_axis_name="s")


@functools.partial(
    pl.kernel,
    out_type=jax.ShapeDtypeStruct((NC, NT), jnp.float32),
    mesh=_mesh,
    scratch_types=[
        pltpu.VMEM((CPW, CH), jnp.int32),
        pltpu.VMEM((CH,), jnp.float32),
        pltpu.VMEM_SHARED((NT,), jnp.float32),
    ],
)
def _sc_deg(dst3_hbm, zeros1_hbm, deg_out, dst_v, ones_v, deg_sh):
    c = lax.axis_index("c")
    s = lax.axis_index("s")
    w = c * NS + s

    def fill(i, carry):
        ones_v[pl.ds(i * 16, 16)] = jnp.ones((16,), jnp.float32)
        return carry

    lax.fori_loop(0, CH // 16, fill, 0)

    @pl.when(s == 0)
    def _():
        pltpu.sync_copy(zeros1_hbm, deg_sh)

    pltpu.sync_copy(dst3_hbm.at[w], dst_v)
    plsc.subcore_barrier()

    def body(j, carry):
        pltpu.sync_copy(ones_v, deg_sh.at[dst_v.at[j]], add=True)
        return carry

    lax.fori_loop(0, CPW, body, 0)
    plsc.subcore_barrier()

    @pl.when(s == 0)
    def _():
        pltpu.sync_copy(deg_sh, deg_out.at[c])


@functools.partial(
    pl.kernel,
    out_type=jax.ShapeDtypeStruct((NC, NT, D), jnp.float32),
    mesh=_mesh,
    scratch_types=[
        pltpu.VMEM((CPH, CH), jnp.int32),
        pltpu.VMEM((CPH, CH), jnp.int32),
        pltpu.VMEM((2, CH, D), jnp.float32),
        pltpu.VMEM_SHARED((NT, D), jnp.float32),
        pltpu.SemaphoreType.DMA,
        pltpu.SemaphoreType.DMA,
    ],
)
def _sc_scat(gm_hbm, src3_hbm, dst3_hbm, zeros2_hbm, s_out,
             src_v, dst_v, rows_v, s_sh, sem_a, sem_b):
    c = lax.axis_index("c")
    s = lax.axis_index("s")
    w = c * NS + s
    r0 = s * RPT

    @pl.when(c == 0)
    def _():
        pltpu.sync_copy(gm_hbm.at[pl.ds(r0, RPT)], s_sh.at[pl.ds(r0, RPT)])

    @pl.when(c != 0)
    def _():
        pltpu.sync_copy(zeros2_hbm.at[pl.ds(r0, RPT)], s_sh.at[pl.ds(r0, RPT)])

    plsc.subcore_barrier()

    def gather(j, buf, sem):
        pltpu.async_copy(gm_hbm.at[src_v.at[j]], rows_v.at[buf], sem)

    def gwait(buf, sem):
        pltpu.make_async_copy(gm_hbm.at[src_v.at[0]], rows_v.at[buf], sem).wait()

    def scat(j, buf):
        pltpu.sync_copy(rows_v.at[buf], s_sh.at[dst_v.at[j]], add=True)

    for h in range(2):
        pltpu.sync_copy(src3_hbm.at[w, pl.ds(h * CPH, CPH)], src_v)
        pltpu.sync_copy(dst3_hbm.at[w, pl.ds(h * CPH, CPH)], dst_v)
        gather(0, 0, sem_a)

        def body(k, carry):
            j0 = 2 * k
            gwait(0, sem_a)
            gather(j0 + 1, 1, sem_b)
            scat(j0, 0)

            @pl.when(j0 + 2 < CPH)
            def _():
                gather(j0 + 2, 0, sem_a)

            gwait(1, sem_b)
            scat(j0 + 1, 1)
            return carry

        lax.fori_loop(0, CPH // 2, body, 0)
    plsc.subcore_barrier()
    pltpu.sync_copy(s_sh.at[pl.ds(r0, RPT)], s_out.at[c, pl.ds(r0, RPT)])


def _tc_mm_body(x_ref, w1_ref, h_ref):
    h_ref[...] = jnp.dot(x_ref[...], w1_ref[...],
                         preferred_element_type=jnp.float32)


def _tc_mm(x, W1):
    return pl.pallas_call(
        _tc_mm_body,
        out_shape=jax.ShapeDtypeStruct((N, D), jnp.float32),
    )(x, W1)


def _tc_prep_body(h_ref, degp_ref, gm_ref, dinv_ref):
    deg = 1.0 + degp_ref[0:1, :] + degp_ref[1:2, :]
    dinv = lax.rsqrt(deg)
    col = lax.broadcasted_iota(jnp.int32, (1, NT), 1)
    dinv = jnp.where(col < N, dinv, 0.0)
    dinv_ref[...] = dinv
    dcol = dinv[0, :N].reshape(N, 1)
    gm_ref[pl.ds(0, N), :] = h_ref[...] * dcol
    gm_ref[pl.ds(N, NT - N), :] = jnp.zeros((NT - N, D), jnp.float32)


def _tc_prep(h, deg_parts):
    return pl.pallas_call(
        _tc_prep_body,
        out_shape=(
            jax.ShapeDtypeStruct((NT, D), jnp.float32),
            jax.ShapeDtypeStruct((1, NT), jnp.float32),
        ),
    )(h, deg_parts)


def _tc_mid_body(sp_ref, dinv_ref, b1_ref, w2_ref, gm2_ref):
    S = sp_ref[0, 0:N, :] + sp_ref[1, 0:N, :]
    dcol = dinv_ref[0, 0:N].reshape(N, 1)
    h1 = dcol * S + b1_ref[0, :][None, :]
    h1r = jnp.maximum(h1, 0.0)
    u = jnp.dot(h1r, w2_ref[...], preferred_element_type=jnp.float32)
    gm2_ref[pl.ds(0, N), :] = u * dcol
    gm2_ref[pl.ds(N, NT - N), :] = jnp.zeros((NT - N, D), jnp.float32)


def _tc_mid(s_parts, dinv, b1, W2):
    return pl.pallas_call(
        _tc_mid_body,
        out_shape=jax.ShapeDtypeStruct((NT, D), jnp.float32),
    )(s_parts, dinv, b1, W2)


def _tc_final_body(sp2_ref, dinv_ref, bat_ref, b2_ref, wc_ref,
                   bc_ref, out_ref):
    S2 = sp2_ref[0, 0:N, :] + sp2_ref[1, 0:N, :]
    dcol = dinv_ref[0, 0:N].reshape(N, 1)
    h2 = dcol * S2 + b2_ref[0, :][None, :]
    bat = bat_ref[0, :]
    gid = lax.broadcasted_iota(jnp.int32, (G, N), 0)
    m = (gid == bat[None, :]).astype(jnp.float32)
    sums = jnp.dot(m, h2, preferred_element_type=jnp.float32,
                   precision=lax.Precision.HIGHEST)
    counts = jnp.sum(m, axis=1)
    cm = jnp.maximum(counts, 1.0)
    pooled = sums / cm[:, None]
    out_ref[...] = (jnp.dot(pooled, wc_ref[...],
                            preferred_element_type=jnp.float32)
                    + bc_ref[0, 0])


def _tc_final(s2_parts, dinv, batch2, b2, Wc, bc):
    return pl.pallas_call(
        _tc_final_body,
        out_shape=jax.ShapeDtypeStruct((G, 1), jnp.float32),
    )(s2_parts, dinv, batch2, b2, Wc, bc)


def kernel(x, edge_index, batch, W1, b1, W2, b2, Wc, bc):
    src = edge_index[0].astype(jnp.int32)
    dst = edge_index[1].astype(jnp.int32)
    bat = batch.astype(jnp.int32)

    pad = E_PAD - E
    pad_i = jnp.arange(pad, dtype=jnp.int32)
    src_p = jnp.concatenate([src, pad_i % N])
    dst_p = jnp.concatenate([dst, N + pad_i % (NT - N)])
    src3 = src_p.reshape(NW, CPW, CH)
    dst3 = dst_p.reshape(NW, CPW, CH)
    src4 = src_p.reshape(NW, CPW // 2, 2, CH)
    dst4 = dst_p.reshape(NW, CPW // 2, 2, CH)
    zeros1 = jnp.zeros((NT,), jnp.float32)
    zeros2 = jnp.zeros((NT, D), jnp.float32)

    h = _tc_mm(x, W1)
    deg_parts = _sc_deg(dst3, zeros1)
    gm, dinv = _tc_prep(h, deg_parts)
    s_parts = _sc_scat(gm, src3, dst3, zeros2)
    gm2 = _tc_mid(s_parts, dinv, b1.reshape(1, D), W2)
    s2_parts = _sc_scat(gm2, src3, dst3, zeros2)
    out = _tc_final(s2_parts, dinv, bat.reshape(1, N), b2.reshape(1, D),
                    Wc, bc.reshape(1, 1))
    return out

# --- scband reference (transcript-rebuilt; emitter-appended) ---
"""Pipeline reference for scband-gnnwrapper-51367808860217 (READ-ONLY COPY).

The authoritative reference and input builder live on the scoring server;
editing this copy changes nothing except your own understanding.
"""

import jax, jax.numpy as jnp
import numpy as np

N_NODES = 10000
N_EDGES = 320000
D_IN = 128
D_HID = 128
N_GRAPHS = 64


def setup_inputs(seed: int = 0) -> dict:
    key = jax.random.key(seed)
    k_x, k_e, k_b, k_w1, k_w2, k_wc = jax.random.split(key, 6)
    x = jax.random.normal(k_x, (N_NODES, D_IN), dtype=jnp.float32)
    edge_index = jax.random.randint(k_e, (2, N_EDGES), 0, N_NODES, dtype=jnp.int64)
    batch = jnp.sort(jax.random.randint(k_b, (N_NODES,), 0, N_GRAPHS, dtype=jnp.int64))
    # GCN layer 1 params
    W1 = jax.random.normal(k_w1, (D_IN, D_HID), dtype=jnp.float32) * (1.0 / np.sqrt(D_IN))
    b1 = jnp.zeros((D_HID,), dtype=jnp.float32)
    # GCN layer 2 params
    W2 = jax.random.normal(k_w2, (D_HID, D_HID), dtype=jnp.float32) * (1.0 / np.sqrt(D_HID))
    b2 = jnp.zeros((D_HID,), dtype=jnp.float32)
    # classifier (mlp_layers=1 -> single Linear(hidden, 1))
    Wc = jax.random.normal(k_wc, (D_HID, 1), dtype=jnp.float32) * (1.0 / np.sqrt(D_HID))
    bc = jnp.zeros((1,), dtype=jnp.float32)
    return {"x": x, "edge_index": edge_index, "batch": batch,
            "W1": W1, "b1": b1, "W2": W2, "b2": b2, "Wc": Wc, "bc": bc}


def _gcn_conv(x, src, dst, W, b):
    # GCNConv: add self-loops, symmetric normalization, x @ W then propagate
    n = x.shape[0]
    loop = jnp.arange(n, dtype=src.dtype)
    s = jnp.concatenate([src, loop])
    d = jnp.concatenate([dst, loop])
    ones = jnp.ones(s.shape[0], dtype=x.dtype)
    deg = jax.ops.segment_sum(ones, d, num_segments=n)
    dinv = jnp.where(deg > 0, jax.lax.rsqrt(deg), 0.0)
    norm = dinv[s] * dinv[d]
    h = x @ W
    msg = h[s] * norm[:, None]
    out = jax.ops.segment_sum(msg, d, num_segments=n)
    return out + b


def reference(x, edge_index, batch, W1, b1, W2, b2, Wc, bc):
    src = edge_index[0]
    dst = edge_index[1]
    # GNN: 2-layer GCN with ReLU between layers (torch_geometric GCN basic model)
    h = _gcn_conv(x, src, dst, W1, b1)
    h = jax.nn.relu(h)
    h = _gcn_conv(h, src, dst, W2, b2)
    # global mean pool over graph assignment
    sums = jax.ops.segment_sum(h, batch, num_segments=N_GRAPHS)
    counts = jax.ops.segment_sum(jnp.ones((h.shape[0],), dtype=h.dtype), batch, num_segments=N_GRAPHS)
    pooled = sums / jnp.maximum(counts, 1.0)[:, None]
    # classifier: single Linear(hidden, 1)
    out = pooled @ Wc + bc
    return out

if __name__ == "__main__":
    import jax
    _d = setup_inputs()
    print(jax.jit(kernel)(*tuple(_d.values())))

</pallas_src>

<mosaic_0001>
#map = affine_map<(d0, d1) -> (0, 0)>
#map1 = affine_map<(d0, d1) -> (0, 0, 0)>
module attributes {stable_mosaic.version = 14 : i64} {
  func.func @_sc_scat(%arg0: i32, %arg1: i32, %arg2: memref<10112x128xf32, #tpu.memory_space<hbm>>, %arg3: memref<32x80x128xi32, #tpu.memory_space<hbm>>, %arg4: memref<32x80x128xi32, #tpu.memory_space<hbm>>, %arg5: memref<10112x128xf32, #tpu.memory_space<hbm>>, %arg6: memref<2x10112x128xf32, #tpu.memory_space<hbm>>, %arg7: memref<40x128xi32, #tpu.memory_space<vmem>>, %arg8: memref<40x128xi32, #tpu.memory_space<vmem>>, %arg9: memref<2x128x128xf32, #tpu.memory_space<vmem>>, %arg10: memref<10112x128xf32, #tpu.memory_space<vmem_shared>>, %arg11: memref<!tpu.dma_semaphore, #tpu.memory_space<semaphore_mem>>, %arg12: memref<!tpu.dma_semaphore, #tpu.memory_space<semaphore_mem>>) attributes {dimension_semantics = [#tpu.dimension_semantics<core_parallel>, #tpu.dimension_semantics<subcore_parallel>], iteration_bounds = array<i64: 2, 16>, scalar_prefetch = 0 : i64, scratch_operands = 6 : i64, tpu.core_type = #tpu.core_type<sc_vector_subcore>, window_params = [{transform_indices = #map}, {transform_indices = #map1}, {transform_indices = #map1}, {transform_indices = #map}, {transform_indices = #map1}]} {
    %mul3A = arith.constant 16 : i32
    %mul3A_0 = arith.muli %arg0, %mul3A : i32
    %add3A = arith.addi %mul3A_0, %arg1 : i32
    %mul3A_1 = arith.constant 632 : i32
    %mul3A_2 = arith.muli %arg1, %mul3A_1 : i32
    %eq3A = arith.constant 0 : i32
    %eq3A_3 = arith.cmpi eq, %arg0, %eq3A : i32
    %convert_element_type3A = arith.extui %eq3A_3 : i1 to i32
    %cond3A = arith.constant 0 : i32
    %cond3A_4 = arith.cmpi ne, %convert_element_type3A, %cond3A : i32
    scf.if %cond3A_4 {
      "tpu.region"() ({
        %run_scoped3A = tpu.sem_alloc : memref<!tpu.dma_semaphore, #tpu.memory_space<semaphore_mem>>
        %dma_start3A_44 = arith.constant 0 : i32
        %dma_start3A_45 = tpu.memref_slice %arg10[%mul3A_2, %dma_start3A_44] : memref<10112x128xf32, #tpu.memory_space<vmem_shared>> -> memref<632x128xf32, #tpu.memory_space<vmem_shared>>
        %dma_start3A_46 = arith.constant 0 : i32
        %dma_start3A_47 = tpu.memref_slice %arg2[%mul3A_2, %dma_start3A_46] : memref<10112x128xf32, #tpu.memory_space<hbm>> -> memref<632x128xf32, #tpu.memory_space<hbm>>
        tpu.enqueue_dma source(%dma_start3A_47 : memref<632x128xf32, #tpu.memory_space<hbm>>) target(%dma_start3A_45 : memref<632x128xf32, #tpu.memory_space<vmem_shared>>) target_semaphore(%run_scoped3A : memref<!tpu.dma_semaphore, #tpu.memory_space<semaphore_mem>>)
        %dma_wait3A = arith.constant 0 : i32
        %dma_wait3A_48 = tpu.memref_slice %arg10[%mul3A_2, %dma_wait3A] : memref<10112x128xf32, #tpu.memory_space<vmem_shared>> -> memref<632x128xf32, #tpu.memory_space<vmem_shared>>
        %dma_wait3A_49 = arith.constant 0 : i32
        %dma_wait3A_50 = tpu.memref_slice %arg2[%mul3A_2, %dma_wait3A_49] : memref<10112x128xf32, #tpu.memory_space<hbm>> -> memref<632x128xf32, #tpu.memory_space<hbm>>
        tpu.wait_dma2 semaphore(%run_scoped3A : memref<!tpu.dma_semaphore, #tpu.memory_space<semaphore_mem>>) src(%dma_wait3A_50 : memref<632x128xf32, #tpu.memory_space<hbm>>) dst(%dma_wait3A_48 : memref<632x128xf32, #tpu.memory_space<vmem_shared>>)
        tpu.yield
      }) : () -> ()
    } else {
    }
    %ne3A = arith.constant 0 : i32
    %ne3A_5 = arith.cmpi ne, %arg0, %ne3A : i32
    %convert_element_type3A_6 = arith.extui %ne3A_5 : i1 to i32
    %cond3A_7 = arith.constant 0 : i32
    %cond3A_8 = arith.cmpi ne, %convert_element_type3A_6, %cond3A_7 : i32
    scf.if %cond3A_8 {
      "tpu.region"() ({
        %run_scoped3A = tpu.sem_alloc : memref<!tpu.dma_semaphore, #tpu.memory_space<semaphore_mem>>
        %dma_start3A_44 = arith.constant 0 : i32
        %dma_start3A_45 = tpu.memref_slice %arg10[%mul3A_2, %dma_start3A_44] : memref<10112x128xf32, #tpu.memory_space<vmem_shared>> -> memref<632x128xf32, #tpu.memory_space<vmem_shared>>
        %dma_start3A_46 = arith.constant 0 : i32
        %dma_start3A_47 = tpu.memref_slice %arg5[%mul3A_2, %dma_start3A_46] : memref<10112x128xf32, #tpu.memory_space<hbm>> -> memref<632x128xf32, #tpu.memory_space<hbm>>
        tpu.enqueue_dma source(%dma_start3A_47 : memref<632x128xf32, #tpu.memory_space<hbm>>) target(%dma_start3A_45 : memref<632x128xf32, #tpu.memory_space<vmem_shared>>) target_semaphore(%run_scoped3A : memref<!tpu.dma_semaphore, #tpu.memory_space<semaphore_mem>>)
        %dma_wait3A = arith.constant 0 : i32
        %dma_wait3A_48 = tpu.memref_slice %arg10[%mul3A_2, %dma_wait3A] : memref<10112x128xf32, #tpu.memory_space<vmem_shared>> -> memref<632x128xf32, #tpu.memory_space<vmem_shared>>
        %dma_wait3A_49 = arith.constant 0 : i32
        %dma_wait3A_50 = tpu.memref_slice %arg5[%mul3A_2, %dma_wait3A_49] : memref<10112x128xf32, #tpu.memory_space<hbm>> -> memref<632x128xf32, #tpu.memory_space<hbm>>
        tpu.wait_dma2 semaphore(%run_scoped3A : memref<!tpu.dma_semaphore, #tpu.memory_space<semaphore_mem>>) src(%dma_wait3A_50 : memref<632x128xf32, #tpu.memory_space<hbm>>) dst(%dma_wait3A_48 : memref<632x128xf32, #tpu.memory_space<vmem_shared>>)
        tpu.yield
      }) : () -> ()
    } else {
    }
    %barrier3A = arith.constant 0 : index
    tpu.barrier barrier_id(%barrier3A)
    "tpu.region"() ({
      %run_scoped3A = tpu.sem_alloc : memref<!tpu.dma_semaphore, #tpu.memory_space<semaphore_mem>>
      %dma_start3A_44 = arith.constant 0 : i32
      %dma_start3A_45 = arith.constant 0 : i32
      %dma_start3A_46 = tpu.memref_slice %arg3[%add3A, %dma_start3A_44, %dma_start3A_45] : memref<32x80x128xi32, #tpu.memory_space<hbm>> -> memref<1x40x128xi32, #tpu.memory_space<hbm>>
      %dma_start3A_47 = tpu.memref_squeeze %dma_start3A_46 : memref<1x40x128xi32, #tpu.memory_space<hbm>> -> memref<40x128xi32, #tpu.memory_space<hbm>>
      %dma_start3A_48 = arith.constant 0 : i32
      %dma_start3A_49 = arith.constant 0 : i32
      %dma_start3A_50 = tpu.memref_slice %arg3[%add3A, %dma_start3A_48, %dma_start3A_49] : memref<32x80x128xi32, #tpu.memory_space<hbm>> -> memref<1x40x128xi32, #tpu.memory_space<hbm>>
      %dma_start3A_51 = tpu.memref_squeeze %dma_start3A_50 : memref<1x40x128xi32, #tpu.memory_space<hbm>> -> memref<40x128xi32, #tpu.memory_space<hbm>>
      tpu.enqueue_dma source(%dma_start3A_51 : memref<40x128xi32, #tpu.memory_space<hbm>>) target(%arg7 : memref<40x128xi32, #tpu.memory_space<vmem>>) target_semaphore(%run_scoped3A : memref<!tpu.dma_semaphore, #tpu.memory_space<semaphore_mem>>)
      %dma_wait3A = arith.constant 0 : i32
      %dma_wait3A_52 = arith.constant 0 : i32
      %dma_wait3A_53 = tpu.memref_slice %arg3[%add3A, %dma_wait3A, %dma_wait3A_52] : memref<32x80x128xi32, #tpu.memory_space<hbm>> -> memref<1x40x128xi32, #tpu.memory_space<hbm>>
      %dma_wait3A_54 = tpu.memref_squeeze %dma_wait3A_53 : memref<1x40x128xi32, #tpu.memory_space<hbm>> -> memref<40x128xi32, #tpu.memory_space<hbm>>
      %dma_wait3A_55 = arith.constant 0 : i32
      %dma_wait3A_56 = arith.constant 0 : i32
      %dma_wait3A_57 = tpu.memref_slice %arg3[%add3A, %dma_wait3A_55, %dma_wait3A_56] : memref<32x80x128xi32, #tpu.memory_space<hbm>> -> memref<1x40x128xi32, #tpu.memory_space<hbm>>
      %dma_wait3A_58 = tpu.memref_squeeze %dma_wait3A_57 : memref<1x40x128xi32, #tpu.memory_space<hbm>> -> memref<40x128xi32, #tpu.memory_space<hbm>>
      tpu.wait_dma2 semaphore(%run_scoped3A : memref<!tpu.dma_semaphore, #tpu.memory_space<semaphore_mem>>) src(%dma_wait3A_58 : memref<40x128xi32, #tpu.memory_space<hbm>>) dst(%arg7 : memref<40x128xi32, #tpu.memory_space<vmem>>)
      tpu.yield
    }) : () -> ()
    "tpu.region"() ({
      %run_scoped3A = tpu.sem_alloc : memref<!tpu.dma_semaphore, #tpu.memory_space<semaphore_mem>>
      %dma_start3A_44 = arith.constant 0 : i32
      %dma_start3A_45 = arith.constant 0 : i32
      %dma_start3A_46 = tpu.memref_slice %arg4[%add3A, %dma_start3A_44, %dma_start3A_45] : memref<32x80x128xi32, #tpu.memory_space<hbm>> -> memref<1x40x128xi32, #tpu.memory_space<hbm>>
      %dma_start3A_47 = tpu.memref_squeeze %dma_start3A_46 : memref<1x40x128xi32, #tpu.memory_space<hbm>> -> memref<40x128xi32, #tpu.memory_space<hbm>>
      %dma_start3A_48 = arith.constant 0 : i32
      %dma_start3A_49 = arith.constant 0 : i32
      %dma_start3A_50 = tpu.memref_slice %arg4[%add3A, %dma_start3A_48, %dma_start3A_49] : memref<32x80x128xi32, #tpu.memory_space<hbm>> -> memref<1x40x128xi32, #tpu.memory_space<hbm>>
      %dma_start3A_51 = tpu.memref_squeeze %dma_start3A_50 : memref<1x40x128xi32, #tpu.memory_space<hbm>> -> memref<40x128xi32, #tpu.memory_space<hbm>>
      tpu.enqueue_dma source(%dma_start3A_51 : memref<40x128xi32, #tpu.memory_space<hbm>>) target(%arg8 : memref<40x128xi32, #tpu.memory_space<vmem>>) target_semaphore(%run_scoped3A : memref<!tpu.dma_semaphore, #tpu.memory_space<semaphore_mem>>)
      %dma_wait3A = arith.constant 0 : i32
      %dma_wait3A_52 = arith.constant 0 : i32
      %dma_wait3A_53 = tpu.memref_slice %arg4[%add3A, %dma_wait3A, %dma_wait3A_52] : memref<32x80x128xi32, #tpu.memory_space<hbm>> -> memref<1x40x128xi32, #tpu.memory_space<hbm>>
      %dma_wait3A_54 = tpu.memref_squeeze %dma_wait3A_53 : memref<1x40x128xi32, #tpu.memory_space<hbm>> -> memref<40x128xi32, #tpu.memory_space<hbm>>
      %dma_wait3A_55 = arith.constant 0 : i32
      %dma_wait3A_56 = arith.constant 0 : i32
      %dma_wait3A_57 = tpu.memref_slice %arg4[%add3A, %dma_wait3A_55, %dma_wait3A_56] : memref<32x80x128xi32, #tpu.memory_space<hbm>> -> memref<1x40x128xi32, #tpu.memory_space<hbm>>
      %dma_wait3A_58 = tpu.memref_squeeze %dma_wait3A_57 : memref<1x40x128xi32, #tpu.memory_space<hbm>> -> memref<40x128xi32, #tpu.memory_space<hbm>>
      tpu.wait_dma2 semaphore(%run_scoped3A : memref<!tpu.dma_semaphore, #tpu.memory_space<semaphore_mem>>) src(%dma_wait3A_58 : memref<40x128xi32, #tpu.memory_space<hbm>>) dst(%arg8 : memref<40x128xi32, #tpu.memory_space<vmem>>)
      tpu.yield
    }) : () -> ()
    %dma_start3A = arith.constant 0 : i32
    %dma_start3A_9 = arith.constant 0 : i32
    %dma_start3A_10 = arith.constant 0 : i32
    %dma_start3A_11 = arith.constant 0 : i32
    %dma_start3A_12 = tpu.memref_slice %arg9[%dma_start3A_9, %dma_start3A_10, %dma_start3A_11] : memref<2x128x128xf32, #tpu.memory_space<vmem>> -> memref<1x128x128xf32, #tpu.memory_space<vmem>>
    %dma_start3A_13 = tpu.memref_squeeze %dma_start3A_12 : memref<1x128x128xf32, #tpu.memory_space<vmem>> -> memref<128x128xf32, #tpu.memory_space<vmem>>
    %dma_start3A_14 = arith.constant 0 : i32
    %dma_start3A_15 = tpu.memref_slice %arg7[%dma_start3A, %dma_start3A_14] : memref<40x128xi32, #tpu.memory_space<vmem>> -> memref<1x128xi32, #tpu.memory_space<vmem>>
    %dma_start3A_16 = tpu.memref_squeeze %dma_start3A_15 : memref<1x128xi32, #tpu.memory_space<vmem>> -> memref<128xi32, #tpu.memory_space<vmem>>
    %dma_start3A_17 = arith.constant 0 : i32
    %dma_start3A_18 = arith.constant 0 : i32
    %dma_start3A_19 = tpu.memref_slice %arg2[%dma_start3A_17, %dma_start3A_18] : memref<10112x128xf32, #tpu.memory_space<hbm>> -> memref<10112x128xf32, #tpu.memory_space<hbm>>
    tpu.enqueue_indirect_dma source(%dma_start3A_19 : memref<10112x128xf32, #tpu.memory_space<hbm>>) target(%dma_start3A_13 : memref<128x128xf32, #tpu.memory_space<vmem>>) offsets(%dma_start3A_16 : memref<128xi32, #tpu.memory_space<vmem>>) semaphore(%arg11 : memref<!tpu.dma_semaphore, #tpu.memory_space<semaphore_mem>>)
    %scan3A = arith.constant 0 : i32
    %scan3A_20 = arith.constant 0 : i32
    %scan3A_21 = arith.constant 20 : i32
    %scan3A_22 = arith.addi %scan3A_20, %scan3A_21 : i32
    %scan3A_23 = arith.constant 1 : i32
    scf.for %scan3A_44 = %scan3A_20 to %scan3A_22 step %scan3A_23  : i32 {
      %mul3A_45 = arith.constant 2 : i32
      %mul3A_46 = arith.muli %mul3A_45, %scan3A_44 : i32
      %dma_wait3A = arith.constant 0 : i32
      %dma_wait3A_47 = arith.constant 0 : i32
      %dma_wait3A_48 = arith.constant 0 : i32
      %dma_wait3A_49 = arith.constant 0 : i32
      %dma_wait3A_50 = tpu.memref_slice %arg9[%dma_wait3A_47, %dma_wait3A_48, %dma_wait3A_49] : memref<2x128x128xf32, #tpu.memory_space<vmem>> -> memref<1x128x128xf32, #tpu.memory_space<vmem>>
      %dma_wait3A_51 = tpu.memref_squeeze %dma_wait3A_50 : memref<1x128x128xf32, #tpu.memory_space<vmem>> -> memref<128x128xf32, #tpu.memory_space<vmem>>
      %dma_wait3A_52 = arith.constant 0 : i32
      %dma_wait3A_53 = tpu.memref_slice %arg7[%dma_wait3A, %dma_wait3A_52] : memref<40x128xi32, #tpu.memory_space<vmem>> -> memref<1x128xi32, #tpu.memory_space<vmem>>
      %dma_wait3A_54 = tpu.memref_squeeze %dma_wait3A_53 : memref<1x128xi32, #tpu.memory_space<vmem>> -> memref<128xi32, #tpu.memory_space<vmem>>
      %dma_wait3A_55 = arith.constant 0 : i32
      %dma_wait3A_56 = arith.constant 0 : i32
      %dma_wait3A_57 = tpu.memref_slice %arg2[%dma_wait3A_55, %dma_wait3A_56] : memref<10112x128xf32, #tpu.memory_space<hbm>> -> memref<10112x128xf32, #tpu.memory_space<hbm>>
      tpu.wait_indirect_dma semaphore(%arg11 : memref<!tpu.dma_semaphore, #tpu.memory_space<semaphore_mem>>) src(%dma_wait3A_57 : memref<10112x128xf32, #tpu.memory_space<hbm>>) dst(%dma_wait3A_51 : memref<128x128xf32, #tpu.memory_space<vmem>>)
      %add3A_58 = arith.constant 1 : i32
      %add3A_59 = arith.addi %mul3A_46, %add3A_58 : i32
      %dma_start3A_60 = arith.constant 1 : i32
      %dma_start3A_61 = arith.constant 0 : i32
      %dma_start3A_62 = arith.constant 0 : i32
      %dma_start3A_63 = tpu.memref_slice %arg9[%dma_start3A_60, %dma_start3A_61, %dma_start3A_62] : memref<2x128x128xf32, #tpu.memory_space<vmem>> -> memref<1x128x128xf32, #tpu.memory_space<vmem>>
      %dma_start3A_64 = tpu.memref_squeeze %dma_start3A_63 : memref<1x128x128xf32, #tpu.memory_space<vmem>> -> memref<128x128xf32, #tpu.memory_space<vmem>>
      %dma_start3A_65 = arith.constant 0 : i32
      %dma_start3A_66 = tpu.memref_slice %arg7[%add3A_59, %dma_start3A_65] : memref<40x128xi32, #tpu.memory_space<vmem>> -> memref<1x128xi32, #tpu.memory_space<vmem>>
      %dma_start3A_67 = tpu.memref_squeeze %dma_start3A_66 : memref<1x128xi32, #tpu.memory_space<vmem>> -> memref<128xi32, #tpu.memory_space<vmem>>
      %dma_start3A_68 = arith.constant 0 : i32
      %dma_start3A_69 = arith.constant 0 : i32
      %dma_start3A_70 = tpu.memref_slice %arg2[%dma_start3A_68, %dma_start3A_69] : memref<10112x128xf32, #tpu.memory_space<hbm>> -> memref<10112x128xf32, #tpu.memory_space<hbm>>
      tpu.enqueue_indirect_dma source(%dma_start3A_70 : memref<10112x128xf32, #tpu.memory_space<hbm>>) target(%dma_start3A_64 : memref<128x128xf32, #tpu.memory_space<vmem>>) offsets(%dma_start3A_67 : memref<128xi32, #tpu.memory_space<vmem>>) semaphore(%arg12 : memref<!tpu.dma_semaphore, #tpu.memory_space<semaphore_mem>>)
      %run_scoped3A = arith.constant 0 : i32
      "tpu.region"() ({
        %run_scoped3A_92 = tpu.sem_alloc : memref<!tpu.dma_semaphore, #tpu.memory_space<semaphore_mem>>
        %dma_start3A_93 = arith.constant 0 : i32
        %dma_start3A_94 = arith.constant 0 : i32
        %dma_start3A_95 = tpu.memref_slice %arg9[%run_scoped3A, %dma_start3A_93, %dma_start3A_94] : memref<2x128x128xf32, #tpu.memory_space<vmem>> -> memref<1x128x128xf32, #tpu.memory_space<vmem>>
        %dma_start3A_96 = tpu.memref_squeeze %dma_start3A_95 : memref<1x128x128xf32, #tpu.memory_space<vmem>> -> memref<128x128xf32, #tpu.memory_space<vmem>>
        %dma_start3A_97 = arith.constant 0 : i32
        %dma_start3A_98 = tpu.memref_slice %arg8[%mul3A_46, %dma_start3A_97] : memref<40x128xi32, #tpu.memory_space<vmem>> -> memref<1x128xi32, #tpu.memory_space<vmem>>
        %dma_start3A_99 = tpu.memref_squeeze %dma_start3A_98 : memref<1x128xi32, #tpu.memory_space<vmem>> -> memref<128xi32, #tpu.memory_space<vmem>>
        %dma_start3A_100 = arith.constant 0 : i32
        %dma_start3A_101 = arith.constant 0 : i32
        %dma_start3A_102 = tpu.memref_slice %arg10[%dma_start3A_100, %dma_start3A_101] : memref<10112x128xf32, #tpu.memory_space<vmem_shared>> -> memref<10112x128xf32, #tpu.memory_space<vmem_shared>>
        tpu.enqueue_indirect_dma source(%dma_start3A_96 : memref<128x128xf32, #tpu.memory_space<vmem>>) target(%dma_start3A_102 : memref<10112x128xf32, #tpu.memory_space<vmem_shared>>) offsets(%dma_start3A_99 : memref<128xi32, #tpu.memory_space<vmem>>) semaphore(%run_scoped3A_92 : memref<!tpu.dma_semaphore, #tpu.memory_space<semaphore_mem>>) {add = true}
        %dma_wait3A_103 = arith.constant 0 : i32
        %dma_wait3A_104 = arith.constant 0 : i32
        %dma_wait3A_105 = tpu.memref_slice %arg9[%run_scoped3A, %dma_wait3A_103, %dma_wait3A_104] : memref<2x128x128xf32, #tpu.memory_space<vmem>> -> memref<1x128x128xf32, #tpu.memory_space<vmem>>
        %dma_wait3A_106 = tpu.memref_squeeze %dma_wait3A_105 : memref<1x128x128xf32, #tpu.memory_space<vmem>> -> memref<128x128xf32, #tpu.memory_space<vmem>>
        %dma_wait3A_107 = arith.constant 0 : i32
        %dma_wait3A_108 = tpu.memref_slice %arg8[%mul3A_46, %dma_wait3A_107] : memref<40x128xi32, #tpu.memory_space<vmem>> -> memref<1x128xi32, #tpu.memory_space<vmem>>
        %dma_wait3A_109 = tpu.memref_squeeze %dma_wait3A_108 : memref<1x128xi32, #tpu.memory_space<vmem>> -> memref<128xi32, #tpu.memory_space<vmem>>
        %dma_wait3A_110 = arith.constant 0 : i32
        %dma_wait3A_111 = arith.constant 0 : i32
        %dma_wait3A_112 = tpu.memref_slice %arg10[%dma_wait3A_110, %dma_wait3A_111] : memref<10112x128xf32, #tpu.memory_space<vmem_shared>> -> memref<10112x128xf32, #tpu.memory_space<vmem_shared>>
        tpu.wait_indirect_dma semaphore(%run_scoped3A_92 : memref<!tpu.dma_semaphore, #tpu.memory_space<semaphore_mem>>) src(%dma_wait3A_106 : memref<128x128xf32, #tpu.memory_space<vmem>>) dst(%dma_wait3A_112 : memref<10112x128xf32, #tpu.memory_space<vmem_shared>>)
        tpu.yield
      }) : () -> ()
      %add3A_71 = arith.constant 2 : i32
      %add3A_72 = arith.addi %mul3A_46, %add3A_71 : i32
      %lt3A = arith.constant 40 : i32
      %lt3A_73 = arith.cmpi slt, %add3A_72, %lt3A : i32
      %convert_element_type3A_74 = arith.extui %lt3A_73 : i1 to i32
      %cond3A_75 = arith.constant 0 : i32
      %cond3A_76 = arith.cmpi ne, %convert_element_type3A_74, %cond3A_75 : i32
      scf.if %cond3A_76 {
        %add3A_92 = arith.constant 2 : i32
        %add3A_93 = arith.addi %mul3A_46, %add3A_92 : i32
        %dma_start3A_94 = arith.constant 0 : i32
        %dma_start3A_95 = arith.constant 0 : i32
        %dma_start3A_96 = arith.constant 0 : i32
        %dma_start3A_97 = tpu.memref_slice %arg9[%dma_start3A_94, %dma_start3A_95, %dma_start3A_96] : memref<2x128x128xf32, #tpu.memory_space<vmem>> -> memref<1x128x128xf32, #tpu.memory_space<vmem>>
        %dma_start3A_98 = tpu.memref_squeeze %dma_start3A_97 : memref<1x128x128xf32, #tpu.memory_space<vmem>> -> memref<128x128xf32, #tpu.memory_space<vmem>>
        %dma_start3A_99 = arith.constant 0 : i32
        %dma_start3A_100 = tpu.memref_slice %arg7[%add3A_93, %dma_start3A_99] : memref<40x128xi32, #tpu.memory_space<vmem>> -> memref<1x128xi32, #tpu.memory_space<vmem>>
        %dma_start3A_101 = tpu.memref_squeeze %dma_start3A_100 : memref<1x128xi32, #tpu.memory_space<vmem>> -> memref<128xi32, #tpu.memory_space<vmem>>
        %dma_start3A_102 = arith.constant 0 : i32
        %dma_start3A_103 = arith.constant 0 : i32
        %dma_start3A_104 = tpu.memref_slice %arg2[%dma_start3A_102, %dma_start3A_103] : memref<10112x128xf32, #tpu.memory_space<hbm>> -> memref<10112x128xf32, #tpu.memory_space<hbm>>
        tpu.enqueue_indirect_dma source(%dma_start3A_104 : memref<10112x128xf32, #tpu.memory_space<hbm>>) target(%dma_start3A_98 : memref<128x128xf32, #tpu.memory_space<vmem>>) offsets(%dma_start3A_101 : memref<128xi32, #tpu.memory_space<vmem>>) semaphore(%arg11 : memref<!tpu.dma_semaphore, #tpu.memory_space<semaphore_mem>>)
      } else {
      }
      %dma_wait3A_77 = arith.constant 0 : i32
      %dma_wait3A_78 = arith.constant 1 : i32
      %dma_wait3A_79 = arith.constant 0 : i32
      %dma_wait3A_80 = arith.constant 0 : i32
      %dma_wait3A_81 = tpu.memref_slice %arg9[%dma_wait3A_78, %dma_wait3A_79, %dma_wait3A_80] : memref<2x128x128xf32, #tpu.memory_space<vmem>> -> memref<1x128x128xf32, #tpu.memory_space<vmem>>
      %dma_wait3A_82 = tpu.memref_squeeze %dma_wait3A_81 : memref<1x128x128xf32, #tpu.memory_space<vmem>> -> memref<128x128xf32, #tpu.memory_space<vmem>>
      %dma_wait3A_83 = arith.constant 0 : i32
      %dma_wait3A_84 = tpu.memref_slice %arg7[%dma_wait3A_77, %dma_wait3A_83] : memref<40x128xi32, #tpu.memory_space<vmem>> -> memref<1x128xi32, #tpu.memory_space<vmem>>
      %dma_wait3A_85 = tpu.memref_squeeze %dma_wait3A_84 : memref<1x128xi32, #tpu.memory_space<vmem>> -> memref<128xi32, #tpu.memory_space<vmem>>
      %dma_wait3A_86 = arith.constant 0 : i32
      %dma_wait3A_87 = arith.constant 0 : i32
      %dma_wait3A_88 = tpu.memref_slice %arg2[%dma_wait3A_86, %dma_wait3A_87] : memref<10112x128xf32, #tpu.memory_space<hbm>> -> memref<10112x128xf32, #tpu.memory_space<hbm>>
      tpu.wait_indirect_dma semaphore(%arg12 : memref<!tpu.dma_semaphore, #tpu.memory_space<semaphore_mem>>) src(%dma_wait3A_88 : memref<10112x128xf32, #tpu.memory_space<hbm>>) dst(%dma_wait3A_82 : memref<128x128xf32, #tpu.memory_space<vmem>>)
      %add3A_89 = arith.constant 1 : i32
      %add3A_90 = arith.addi %mul3A_46, %add3A_89 : i32
      %run_scoped3A_91 = arith.constant 1 : i32
      "tpu.region"() ({
        %run_scoped3A_92 = tpu.sem_alloc : memref<!tpu.dma_semaphore, #tpu.memory_space<semaphore_mem>>
        %dma_start3A_93 = arith.constant 0 : i32
        %dma_start3A_94 = arith.constant 0 : i32
        %dma_start3A_95 = tpu.memref_slice %arg9[%run_scoped3A_91, %dma_start3A_93, %dma_start3A_94] : memref<2x128x128xf32, #tpu.memory_space<vmem>> -> memref<1x128x128xf32, #tpu.memory_space<vmem>>
        %dma_start3A_96 = tpu.memref_squeeze %dma_start3A_95 : memref<1x128x128xf32, #tpu.memory_space<vmem>> -> memref<128x128xf32, #tpu.memory_space<vmem>>
        %dma_start3A_97 = arith.constant 0 : i32
        %dma_start3A_98 = tpu.memref_slice %arg8[%add3A_90, %dma_start3A_97] : memref<40x128xi32, #tpu.memory_space<vmem>> -> memref<1x128xi32, #tpu.memory_space<vmem>>
        %dma_start3A_99 = tpu.memref_squeeze %dma_start3A_98 : memref<1x128xi32, #tpu.memory_space<vmem>> -> memref<128xi32, #tpu.memory_space<vmem>>
        %dma_start3A_100 = arith.constant 0 : i32
        %dma_start3A_101 = arith.constant 0 : i32
        %dma_start3A_102 = tpu.memref_slice %arg10[%dma_start3A_100, %dma_start3A_101] : memref<10112x128xf32, #tpu.memory_space<vmem_shared>> -> memref<10112x128xf32, #tpu.memory_space<vmem_shared>>
        tpu.enqueue_indirect_dma source(%dma_start3A_96 : memref<128x128xf32, #tpu.memory_space<vmem>>) target(%dma_start3A_102 : memref<10112x128xf32, #tpu.memory_space<vmem_shared>>) offsets(%dma_start3A_99 : memref<128xi32, #tpu.memory_space<vmem>>) semaphore(%run_scoped3A_92 : memref<!tpu.dma_semaphore, #tpu.memory_space<semaphore_mem>>) {add = true}
        %dma_wait3A_103 = arith.constant 0 : i32
        %dma_wait3A_104 = arith.constant 0 : i32
        %dma_wait3A_105 = tpu.memref_slice %arg9[%run_scoped3A_91, %dma_wait3A_103, %dma_wait3A_104] : memref<2x128x128xf32, #tpu.memory_space<vmem>> -> memref<1x128x128xf32, #tpu.memory_space<vmem>>
        %dma_wait3A_106 = tpu.memref_squeeze %dma_wait3A_105 : memref<1x128x128xf32, #tpu.memory_space<vmem>> -> memref<128x128xf32, #tpu.memory_space<vmem>>
        %dma_wait3A_107 = arith.constant 0 : i32
        %dma_wait3A_108 = tpu.memref_slice %arg8[%add3A_90, %dma_wait3A_107] : memref<40x128xi32, #tpu.memory_space<vmem>> -> memref<1x128xi32, #tpu.memory_space<vmem>>
        %dma_wait3A_109 = tpu.memref_squeeze %dma_wait3A_108 : memref<1x128xi32, #tpu.memory_space<vmem>> -> memref<128xi32, #tpu.memory_space<vmem>>
        %dma_wait3A_110 = arith.constant 0 : i32
        %dma_wait3A_111 = arith.constant 0 : i32
        %dma_wait3A_112 = tpu.memref_slice %arg10[%dma_wait3A_110, %dma_wait3A_111] : memref<10112x128xf32, #tpu.memory_space<vmem_shared>> -> memref<10112x128xf32, #tpu.memory_space<vmem_shared>>
        tpu.wait_indirect_dma semaphore(%run_scoped3A_92 : memref<!tpu.dma_semaphore, #tpu.memory_space<semaphore_mem>>) src(%dma_wait3A_106 : memref<128x128xf32, #tpu.memory_space<vmem>>) dst(%dma_wait3A_112 : memref<10112x128xf32, #tpu.memory_space<vmem_shared>>)
        tpu.yield
      }) : () -> ()
    }
    %scan3A_24 = arith.constant 20 : i32
    "tpu.region"() ({
      %run_scoped3A = tpu.sem_alloc : memref<!tpu.dma_semaphore, #tpu.memory_space<semaphore_mem>>
      %dma_start3A_44 = arith.constant 40 : i32
      %dma_start3A_45 = arith.constant 0 : i32
      %dma_start3A_46 = tpu.memref_slice %arg3[%add3A, %dma_start3A_44, %dma_start3A_45] : memref<32x80x128xi32, #tpu.memory_space<hbm>> -> memref<1x40x128xi32, #tpu.memory_space<hbm>>
      %dma_start3A_47 = tpu.memref_squeeze %dma_start3A_46 : memref<1x40x128xi32, #tpu.memory_space<hbm>> -> memref<40x128xi32, #tpu.memory_space<hbm>>
      %dma_start3A_48 = arith.constant 40 : i32
      %dma_start3A_49 = arith.constant 0 : i32
      %dma_start3A_50 = tpu.memref_slice %arg3[%add3A, %dma_start3A_48, %dma_start3A_49] : memref<32x80x128xi32, #tpu.memory_space<hbm>> -> memref<1x40x128xi32, #tpu.memory_space<hbm>>
      %dma_start3A_51 = tpu.memref_squeeze %dma_start3A_50 : memref<1x40x128xi32, #tpu.memory_space<hbm>> -> memref<40x128xi32, #tpu.memory_space<hbm>>
      tpu.enqueue_dma source(%dma_start3A_51 : memref<40x128xi32, #tpu.memory_space<hbm>>) target(%arg7 : memref<40x128xi32, #tpu.memory_space<vmem>>) target_semaphore(%run_scoped3A : memref<!tpu.dma_semaphore, #tpu.memory_space<semaphore_mem>>)
      %dma_wait3A = arith.constant 40 : i32
      %dma_wait3A_52 = arith.constant 0 : i32
      %dma_wait3A_53 = tpu.memref_slice %arg3[%add3A, %dma_wait3A, %dma_wait3A_52] : memref<32x80x128xi32, #tpu.memory_space<hbm>> -> memref<1x40x128xi32, #tpu.memory_space<hbm>>
      %dma_wait3A_54 = tpu.memref_squeeze %dma_wait3A_53 : memref<1x40x128xi32, #tpu.memory_space<hbm>> -> memref<40x128xi32, #tpu.memory_space<hbm>>
      %dma_wait3A_55 = arith.constant 40 : i32
      %dma_wait3A_56 = arith.constant 0 : i32
      %dma_wait3A_57 = tpu.memref_slice %arg3[%add3A, %dma_wait3A_55, %dma_wait3A_56] : memref<32x80x128xi32, #tpu.memory_space<hbm>> -> memref<1x40x128xi32, #tpu.memory_space<hbm>>
      %dma_wait3A_58 = tpu.memref_squeeze %dma_wait3A_57 : memref<1x40x128xi32, #tpu.memory_space<hbm>> -> memref<40x128xi32, #tpu.memory_space<hbm>>
      tpu.wait_dma2 semaphore(%run_scoped3A : memref<!tpu.dma_semaphore, #tpu.memory_space<semaphore_mem>>) src(%dma_wait3A_58 : memref<40x128xi32, #tpu.memory_space<hbm>>) dst(%arg7 : memref<40x128xi32, #tpu.memory_space<vmem>>)
      tpu.yield
    }) : () -> ()
    "tpu.region"() ({
      %run_scoped3A = tpu.sem_alloc : memref<!tpu.dma_semaphore, #tpu.memory_space<semaphore_mem>>
      %dma_start3A_44 = arith.constant 40 : i32
      %dma_start3A_45 = arith.constant 0 : i32
      %dma_start3A_46 = tpu.memref_slice %arg4[%add3A, %dma_start3A_44, %dma_start3A_45] : memref<32x80x128xi32, #tpu.memory_space<hbm>> -> memref<1x40x128xi32, #tpu.memory_space<hbm>>
      %dma_start3A_47 = tpu.memref_squeeze %dma_start3A_46 : memref<1x40x128xi32, #tpu.memory_space<hbm>> -> memref<40x128xi32, #tpu.memory_space<hbm>>
      %dma_start3A_48 = arith.constant 40 : i32
      %dma_start3A_49 = arith.constant 0 : i32
      %dma_start3A_50 = tpu.memref_slice %arg4[%add3A, %dma_start3A_48, %dma_start3A_49] : memref<32x80x128xi32, #tpu.memory_space<hbm>> -> memref<1x40x128xi32, #tpu.memory_space<hbm>>
      %dma_start3A_51 = tpu.memref_squeeze %dma_start3A_50 : memref<1x40x128xi32, #tpu.memory_space<hbm>> -> memref<40x128xi32, #tpu.memory_space<hbm>>
      tpu.enqueue_dma source(%dma_start3A_51 : memref<40x128xi32, #tpu.memory_space<hbm>>) target(%arg8 : memref<40x128xi32, #tpu.memory_space<vmem>>) target_semaphore(%run_scoped3A : memref<!tpu.dma_semaphore, #tpu.memory_space<semaphore_mem>>)
      %dma_wait3A = arith.constant 40 : i32
      %dma_wait3A_52 = arith.constant 0 : i32
      %dma_wait3A_53 = tpu.memref_slice %arg4[%add3A, %dma_wait3A, %dma_wait3A_52] : memref<32x80x128xi32, #tpu.memory_space<hbm>> -> memref<1x40x128xi32, #tpu.memory_space<hbm>>
      %dma_wait3A_54 = tpu.memref_squeeze %dma_wait3A_53 : memref<1x40x128xi32, #tpu.memory_space<hbm>> -> memref<40x128xi32, #tpu.memory_space<hbm>>
      %dma_wait3A_55 = arith.constant 40 : i32
      %dma_wait3A_56 = arith.constant 0 : i32
      %dma_wait3A_57 = tpu.memref_slice %arg4[%add3A, %dma_wait3A_55, %dma_wait3A_56] : memref<32x80x128xi32, #tpu.memory_space<hbm>> -> memref<1x40x128xi32, #tpu.memory_space<hbm>>
      %dma_wait3A_58 = tpu.memref_squeeze %dma_wait3A_57 : memref<1x40x128xi32, #tpu.memory_space<hbm>> -> memref<40x128xi32, #tpu.memory_space<hbm>>
      tpu.wait_dma2 semaphore(%run_scoped3A : memref<!tpu.dma_semaphore, #tpu.memory_space<semaphore_mem>>) src(%dma_wait3A_58 : memref<40x128xi32, #tpu.memory_space<hbm>>) dst(%arg8 : memref<40x128xi32, #tpu.memory_space<vmem>>)
      tpu.yield
    }) : () -> ()
    %dma_start3A_25 = arith.constant 0 : i32
    %dma_start3A_26 = arith.constant 0 : i32
    %dma_start3A_27 = arith.constant 0 : i32
    %dma_start3A_28 = arith.constant 0 : i32
    %dma_start3A_29 = tpu.memref_slice %arg9[%dma_start3A_26, %dma_start3A_27, %dma_start3A_28] : memref<2x128x128xf32, #tpu.memory_space<vmem>> -> memref<1x128x128xf32, #tpu.memory_space<vmem>>
    %dma_start3A_30 = tpu.memref_squeeze %dma_start3A_29 : memref<1x128x128xf32, #tpu.memory_space<vmem>> -> memref<128x128xf32, #tpu.memory_space<vmem>>
    %dma_start3A_31 = arith.constant 0 : i32
    %dma_start3A_32 = tpu.memref_slice %arg7[%dma_start3A_25, %dma_start3A_31] : memref<40x128xi32, #tpu.memory_space<vmem>> -> memref<1x128xi32, #tpu.memory_space<vmem>>
    %dma_start3A_33 = tpu.memref_squeeze %dma_start3A_32 : memref<1x128xi32, #tpu.memory_space<vmem>> -> memref<128xi32, #tpu.memory_space<vmem>>
    %dma_start3A_34 = arith.constant 0 : i32
    %dma_start3A_35 = arith.constant 0 : i32
    %dma_start3A_36 = tpu.memref_slice %arg2[%dma_start3A_34, %dma_start3A_35] : memref<10112x128xf32, #tpu.memory_space<hbm>> -> memref<10112x128xf32, #tpu.memory_space<hbm>>
    tpu.enqueue_indirect_dma source(%dma_start3A_36 : memref<10112x128xf32, #tpu.memory_space<hbm>>) target(%dma_start3A_30 : memref<128x128xf32, #tpu.memory_space<vmem>>) offsets(%dma_start3A_33 : memref<128xi32, #tpu.memory_space<vmem>>) semaphore(%arg11 : memref<!tpu.dma_semaphore, #tpu.memory_space<semaphore_mem>>)
    %scan3A_37 = arith.constant 0 : i32
    %scan3A_38 = arith.constant 0 : i32
    %scan3A_39 = arith.constant 20 : i32
    %scan3A_40 = arith.addi %scan3A_38, %scan3A_39 : i32
    %scan3A_41 = arith.constant 1 : i32
    scf.for %scan3A_44 = %scan3A_38 to %scan3A_40 step %scan3A_41  : i32 {
      %mul3A_45 = arith.constant 2 : i32
      %mul3A_46 = arith.muli %mul3A_45, %scan3A_44 : i32
      %dma_wait3A = arith.constant 0 : i32
      %dma_wait3A_47 = arith.constant 0 : i32
      %dma_wait3A_48 = arith.constant 0 : i32
      %dma_wait3A_49 = arith.constant 0 : i32
      %dma_wait3A_50 = tpu.memref_slice %arg9[%dma_wait3A_47, %dma_wait3A_48, %dma_wait3A_49] : memref<2x128x128xf32, #tpu.memory_space<vmem>> -> memref<1x128x128xf32, #tpu.memory_space<vmem>>
      %dma_wait3A_51 = tpu.memref_squeeze %dma_wait3A_50 : memref<1x128x128xf32, #tpu.memory_space<vmem>> -> memref<128x128xf32, #tpu.memory_space<vmem>>
      %dma_wait3A_52 = arith.constant 0 : i32
      %dma_wait3A_53 = tpu.memref_slice %arg7[%dma_wait3A, %dma_wait3A_52] : memref<40x128xi32, #tpu.memory_space<vmem>> -> memref<1x128xi32, #tpu.memory_space<vmem>>
      %dma_wait3A_54 = tpu.memref_squeeze %dma_wait3A_53 : memref<1x128xi32, #tpu.memory_space<vmem>> -> memref<128xi32, #tpu.memory_space<vmem>>
      %dma_wait3A_55 = arith.constant 0 : i32
      %dma_wait3A_56 = arith.constant 0 : i32
      %dma_wait3A_57 = tpu.memref_slice %arg2[%dma_wait3A_55, %dma_wait3A_56] : memref<10112x128xf32, #tpu.memory_space<hbm>> -> memref<10112x128xf32, #tpu.memory_space<hbm>>
      tpu.wait_indirect_dma semaphore(%arg11 : memref<!tpu.dma_semaphore, #tpu.memory_space<semaphore_mem>>) src(%dma_wait3A_57 : memref<10112x128xf32, #tpu.memory_space<hbm>>) dst(%dma_wait3A_51 : memref<128x128xf32, #tpu.memory_space<vmem>>)
      %add3A_58 = arith.constant 1 : i32
      %add3A_59 = arith.addi %mul3A_46, %add3A_58 : i32
      %dma_start3A_60 = arith.constant 1 : i32
      %dma_start3A_61 = arith.constant 0 : i32
      %dma_start3A_62 = arith.constant 0 : i32
      %dma_start3A_63 = tpu.memref_slice %arg9[%dma_start3A_60, %dma_start3A_61, %dma_start3A_62] : memref<2x128x128xf32, #tpu.memory_space<vmem>> -> memref<1x128x128xf32, #tpu.memory_space<vmem>>
      %dma_start3A_64 = tpu.memref_squeeze %dma_start3A_63 : memref<1x128x128xf32, #tpu.memory_space<vmem>> -> memref<128x128xf32, #tpu.memory_space<vmem>>
      %dma_start3A_65 = arith.constant 0 : i32
      %dma_start3A_66 = tpu.memref_slice %arg7[%add3A_59, %dma_start3A_65] : memref<40x128xi32, #tpu.memory_space<vmem>> -> memref<1x128xi32, #tpu.memory_space<vmem>>
      %dma_start3A_67 = tpu.memref_squeeze %dma_start3A_66 : memref<1x128xi32, #tpu.memory_space<vmem>> -> memref<128xi32, #tpu.memory_space<vmem>>
      %dma_start3A_68 = arith.constant 0 : i32
      %dma_start3A_69 = arith.constant 0 : i32
      %dma_start3A_70 = tpu.memref_slice %arg2[%dma_start3A_68, %dma_start3A_69] : memref<10112x128xf32, #tpu.memory_space<hbm>> -> memref<10112x128xf32, #tpu.memory_space<hbm>>
      tpu.enqueue_indirect_dma source(%dma_start3A_70 : memref<10112x128xf32, #tpu.memory_space<hbm>>) target(%dma_start3A_64 : memref<128x128xf32, #tpu.memory_space<vmem>>) offsets(%dma_start3A_67 : memref<128xi32, #tpu.memory_space<vmem>>) semaphore(%arg12 : memref<!tpu.dma_semaphore, #tpu.memory_space<semaphore_mem>>)
      %run_scoped3A = arith.constant 0 : i32
      "tpu.region"() ({
        %run_scoped3A_92 = tpu.sem_alloc : memref<!tpu.dma_semaphore, #tpu.memory_space<semaphore_mem>>
        %dma_start3A_93 = arith.constant 0 : i32
        %dma_start3A_94 = arith.constant 0 : i32
        %dma_start3A_95 = tpu.memref_slice %arg9[%run_scoped3A, %dma_start3A_93, %dma_start3A_94] : memref<2x128x128xf32, #tpu.memory_space<vmem>> -> memref<1x128x128xf32, #tpu.memory_space<vmem>>
        %dma_start3A_96 = tpu.memref_squeeze %dma_start3A_95 : memref<1x128x128xf32, #tpu.memory_space<vmem>> -> memref<128x128xf32, #tpu.memory_space<vmem>>
        %dma_start3A_97 = arith.constant 0 : i32
        %dma_start3A_98 = tpu.memref_slice %arg8[%mul3A_46, %dma_start3A_97] : memref<40x128xi32, #tpu.memory_space<vmem>> -> memref<1x128xi32, #tpu.memory_space<vmem>>
        %dma_start3A_99 = tpu.memref_squeeze %dma_start3A_98 : memref<1x128xi32, #tpu.memory_space<vmem>> -> memref<128xi32, #tpu.memory_space<vmem>>
        %dma_start3A_100 = arith.constant 0 : i32
        %dma_start3A_101 = arith.constant 0 : i32
        %dma_start3A_102 = tpu.memref_slice %arg10[%dma_start3A_100, %dma_start3A_101] : memref<10112x128xf32, #tpu.memory_space<vmem_shared>> -> memref<10112x128xf32, #tpu.memory_space<vmem_shared>>
        tpu.enqueue_indirect_dma source(%dma_start3A_96 : memref<128x128xf32, #tpu.memory_space<vmem>>) target(%dma_start3A_102 : memref<10112x128xf32, #tpu.memory_space<vmem_shared>>) offsets(%dma_start3A_99 : memref<128xi32, #tpu.memory_space<vmem>>) semaphore(%run_scoped3A_92 : memref<!tpu.dma_semaphore, #tpu.memory_space<semaphore_mem>>) {add = true}
        %dma_wait3A_103 = arith.constant 0 : i32
        %dma_wait3A_104 = arith.constant 0 : i32
        %dma_wait3A_105 = tpu.memref_slice %arg9[%run_scoped3A, %dma_wait3A_103, %dma_wait3A_104] : memref<2x128x128xf32, #tpu.memory_space<vmem>> -> memref<1x128x128xf32, #tpu.memory_space<vmem>>
        %dma_wait3A_106 = tpu.memref_squeeze %dma_wait3A_105 : memref<1x128x128xf32, #tpu.memory_space<vmem>> -> memref<128x128xf32, #tpu.memory_space<vmem>>
        %dma_wait3A_107 = arith.constant 0 : i32
        %dma_wait3A_108 = tpu.memref_slice %arg8[%mul3A_46, %dma_wait3A_107] : memref<40x128xi32, #tpu.memory_space<vmem>> -> memref<1x128xi32, #tpu.memory_space<vmem>>
        %dma_wait3A_109 = tpu.memref_squeeze %dma_wait3A_108 : memref<1x128xi32, #tpu.memory_space<vmem>> -> memref<128xi32, #tpu.memory_space<vmem>>
        %dma_wait3A_110 = arith.constant 0 : i32
        %dma_wait3A_111 = arith.constant 0 : i32
        %dma_wait3A_112 = tpu.memref_slice %arg10[%dma_wait3A_110, %dma_wait3A_111] : memref<10112x128xf32, #tpu.memory_space<vmem_shared>> -> memref<10112x128xf32, #tpu.memory_space<vmem_shared>>
        tpu.wait_indirect_dma semaphore(%run_scoped3A_92 : memref<!tpu.dma_semaphore, #tpu.memory_space<semaphore_mem>>) src(%dma_wait3A_106 : memref<128x128xf32, #tpu.memory_space<vmem>>) dst(%dma_wait3A_112 : memref<10112x128xf32, #tpu.memory_space<vmem_shared>>)
        tpu.yield
      }) : () -> ()
      %add3A_71 = arith.constant 2 : i32
      %add3A_72 = arith.addi %mul3A_46, %add3A_71 : i32
      %lt3A = arith.constant 40 : i32
      %lt3A_73 = arith.cmpi slt, %add3A_72, %lt3A : i32
      %convert_element_type3A_74 = arith.extui %lt3A_73 : i1 to i32
      %cond3A_75 = arith.constant 0 : i32
      %cond3A_76 = arith.cmpi ne, %convert_element_type3A_74, %cond3A_75 : i32
      scf.if %cond3A_76 {
        %add3A_92 = arith.constant 2 : i32
        %add3A_93 = arith.addi %mul3A_46, %add3A_92 : i32
        %dma_start3A_94 = arith.constant 0 : i32
        %dma_start3A_95 = arith.constant 0 : i32
        %dma_start3A_96 = arith.constant 0 : i32
        %dma_start3A_97 = tpu.memref_slice %arg9[%dma_start3A_94, %dma_start3A_95, %dma_start3A_96] : memref<2x128x128xf32, #tpu.memory_space<vmem>> -> memref<1x128x128xf32, #tpu.memory_space<vmem>>
        %dma_start3A_98 = tpu.memref_squeeze %dma_start3A_97 : memref<1x128x128xf32, #tpu.memory_space<vmem>> -> memref<128x128xf32, #tpu.memory_space<vmem>>
        %dma_start3A_99 = arith.constant 0 : i32
        %dma_start3A_100 = tpu.memref_slice %arg7[%add3A_93, %dma_start3A_99] : memref<40x128xi32, #tpu.memory_space<vmem>> -> memref<1x128xi32, #tpu.memory_space<vmem>>
        %dma_start3A_101 = tpu.memref_squeeze %dma_start3A_100 : memref<1x128xi32, #tpu.memory_space<vmem>> -> memref<128xi32, #tpu.memory_space<vmem>>
        %dma_start3A_102 = arith.constant 0 : i32
        %dma_start3A_103 = arith.constant 0 : i32
        %dma_start3A_104 = tpu.memref_slice %arg2[%dma_start3A_102, %dma_start3A_103] : memref<10112x128xf32, #tpu.memory_space<hbm>> -> memref<10112x128xf32, #tpu.memory_space<hbm>>
        tpu.enqueue_indirect_dma source(%dma_start3A_104 : memref<10112x128xf32, #tpu.memory_space<hbm>>) target(%dma_start3A_98 : memref<128x128xf32, #tpu.memory_space<vmem>>) offsets(%dma_start3A_101 : memref<128xi32, #tpu.memory_space<vmem>>) semaphore(%arg11 : memref<!tpu.dma_semaphore, #tpu.memory_space<semaphore_mem>>)
      } else {
      }
      %dma_wait3A_77 = arith.constant 0 : i32
      %dma_wait3A_78 = arith.constant 1 : i32
      %dma_wait3A_79 = arith.constant 0 : i32
      %dma_wait3A_80 = arith.constant 0 : i32
      %dma_wait3A_81 = tpu.memref_slice %arg9[%dma_wait3A_78, %dma_wait3A_79, %dma_wait3A_80] : memref<2x128x128xf32, #tpu.memory_space<vmem>> -> memref<1x128x128xf32, #tpu.memory_space<vmem>>
      %dma_wait3A_82 = tpu.memref_squeeze %dma_wait3A_81 : memref<1x128x128xf32, #tpu.memory_space<vmem>> -> memref<128x128xf32, #tpu.memory_space<vmem>>
      %dma_wait3A_83 = arith.constant 0 : i32
      %dma_wait3A_84 = tpu.memref_slice %arg7[%dma_wait3A_77, %dma_wait3A_83] : memref<40x128xi32, #tpu.memory_space<vmem>> -> memref<1x128xi32, #tpu.memory_space<vmem>>
      %dma_wait3A_85 = tpu.memref_squeeze %dma_wait3A_84 : memref<1x128xi32, #tpu.memory_space<vmem>> -> memref<128xi32, #tpu.memory_space<vmem>>
      %dma_wait3A_86 = arith.constant 0 : i32
      %dma_wait3A_87 = arith.constant 0 : i32
      %dma_wait3A_88 = tpu.memref_slice %arg2[%dma_wait3A_86, %dma_wait3A_87] : memref<10112x128xf32, #tpu.memory_space<hbm>> -> memref<10112x128xf32, #tpu.memory_space<hbm>>
      tpu.wait_indirect_dma semaphore(%arg12 : memref<!tpu.dma_semaphore, #tpu.memory_space<semaphore_mem>>) src(%dma_wait3A_88 : memref<10112x128xf32, #tpu.memory_space<hbm>>) dst(%dma_wait3A_82 : memref<128x128xf32, #tpu.memory_space<vmem>>)
      %add3A_89 = arith.constant 1 : i32
      %add3A_90 = arith.addi %mul3A_46, %add3A_89 : i32
      %run_scoped3A_91 = arith.constant 1 : i32
      "tpu.region"() ({
        %run_scoped3A_92 = tpu.sem_alloc : memref<!tpu.dma_semaphore, #tpu.memory_space<semaphore_mem>>
        %dma_start3A_93 = arith.constant 0 : i32
        %dma_start3A_94 = arith.constant 0 : i32
        %dma_start3A_95 = tpu.memref_slice %arg9[%run_scoped3A_91, %dma_start3A_93, %dma_start3A_94] : memref<2x128x128xf32, #tpu.memory_space<vmem>> -> memref<1x128x128xf32, #tpu.memory_space<vmem>>
        %dma_start3A_96 = tpu.memref_squeeze %dma_start3A_95 : memref<1x128x128xf32, #tpu.memory_space<vmem>> -> memref<128x128xf32, #tpu.memory_space<vmem>>
        %dma_start3A_97 = arith.constant 0 : i32
        %dma_start3A_98 = tpu.memref_slice %arg8[%add3A_90, %dma_start3A_97] : memref<40x128xi32, #tpu.memory_space<vmem>> -> memref<1x128xi32, #tpu.memory_space<vmem>>
        %dma_start3A_99 = tpu.memref_squeeze %dma_start3A_98 : memref<1x128xi32, #tpu.memory_space<vmem>> -> memref<128xi32, #tpu.memory_space<vmem>>
        %dma_start3A_100 = arith.constant 0 : i32
        %dma_start3A_101 = arith.constant 0 : i32
        %dma_start3A_102 = tpu.memref_slice %arg10[%dma_start3A_100, %dma_start3A_101] : memref<10112x128xf32, #tpu.memory_space<vmem_shared>> -> memref<10112x128xf32, #tpu.memory_space<vmem_shared>>
        tpu.enqueue_indirect_dma source(%dma_start3A_96 : memref<128x128xf32, #tpu.memory_space<vmem>>) target(%dma_start3A_102 : memref<10112x128xf32, #tpu.memory_space<vmem_shared>>) offsets(%dma_start3A_99 : memref<128xi32, #tpu.memory_space<vmem>>) semaphore(%run_scoped3A_92 : memref<!tpu.dma_semaphore, #tpu.memory_space<semaphore_mem>>) {add = true}
        %dma_wait3A_103 = arith.constant 0 : i32
        %dma_wait3A_104 = arith.constant 0 : i32
        %dma_wait3A_105 = tpu.memref_slice %arg9[%run_scoped3A_91, %dma_wait3A_103, %dma_wait3A_104] : memref<2x128x128xf32, #tpu.memory_space<vmem>> -> memref<1x128x128xf32, #tpu.memory_space<vmem>>
        %dma_wait3A_106 = tpu.memref_squeeze %dma_wait3A_105 : memref<1x128x128xf32, #tpu.memory_space<vmem>> -> memref<128x128xf32, #tpu.memory_space<vmem>>
        %dma_wait3A_107 = arith.constant 0 : i32
        %dma_wait3A_108 = tpu.memref_slice %arg8[%add3A_90, %dma_wait3A_107] : memref<40x128xi32, #tpu.memory_space<vmem>> -> memref<1x128xi32, #tpu.memory_space<vmem>>
        %dma_wait3A_109 = tpu.memref_squeeze %dma_wait3A_108 : memref<1x128xi32, #tpu.memory_space<vmem>> -> memref<128xi32, #tpu.memory_space<vmem>>
        %dma_wait3A_110 = arith.constant 0 : i32
        %dma_wait3A_111 = arith.constant 0 : i32
        %dma_wait3A_112 = tpu.memref_slice %arg10[%dma_wait3A_110, %dma_wait3A_111] : memref<10112x128xf32, #tpu.memory_space<vmem_shared>> -> memref<10112x128xf32, #tpu.memory_space<vmem_shared>>
        tpu.wait_indirect_dma semaphore(%run_scoped3A_92 : memref<!tpu.dma_semaphore, #tpu.memory_space<semaphore_mem>>) src(%dma_wait3A_106 : memref<128x128xf32, #tpu.memory_space<vmem>>) dst(%dma_wait3A_112 : memref<10112x128xf32, #tpu.memory_space<vmem_shared>>)
        tpu.yield
      }) : () -> ()
    }
    %scan3A_42 = arith.constant 20 : i32
    %barrier3A_43 = arith.constant 0 : index
    tpu.barrier barrier_id(%barrier3A_43)
    "tpu.region"() ({
      %run_scoped3A = tpu.sem_alloc : memref<!tpu.dma_semaphore, #tpu.memory_space<semaphore_mem>>
      %dma_start3A_44 = arith.constant 0 : i32
      %dma_start3A_45 = tpu.memref_slice %arg6[%arg0, %mul3A_2, %dma_start3A_44] : memref<2x10112x128xf32, #tpu.memory_space<hbm>> -> memref<1x632x128xf32, #tpu.memory_space<hbm>>
      %dma_start3A_46 = tpu.memref_squeeze %dma_start3A_45 : memref<1x632x128xf32, #tpu.memory_space<hbm>> -> memref<632x128xf32, #tpu.memory_space<hbm>>
      %dma_start3A_47 = arith.constant 0 : i32
      %dma_start3A_48 = tpu.memref_slice %arg10[%mul3A_2, %dma_start3A_47] : memref<10112x128xf32, #tpu.memory_space<vmem_shared>> -> memref<632x128xf32, #tpu.memory_space<vmem_shared>>
      tpu.enqueue_dma source(%dma_start3A_48 : memref<632x128xf32, #tpu.memory_space<vmem_shared>>) target(%dma_start3A_46 : memref<632x128xf32, #tpu.memory_space<hbm>>) target_semaphore(%run_scoped3A : memref<!tpu.dma_semaphore, #tpu.memory_space<semaphore_mem>>)
      %dma_wait3A = arith.constant 0 : i32
      %dma_wait3A_49 = tpu.memref_slice %arg6[%arg0, %mul3A_2, %dma_wait3A] : memref<2x10112x128xf32, #tpu.memory_space<hbm>> -> memref<1x632x128xf32, #tpu.memory_space<hbm>>
      %dma_wait3A_50 = tpu.memref_squeeze %dma_wait3A_49 : memref<1x632x128xf32, #tpu.memory_space<hbm>> -> memref<632x128xf32, #tpu.memory_space<hbm>>
      %dma_wait3A_51 = arith.constant 0 : i32
      %dma_wait3A_52 = tpu.memref_slice %arg10[%mul3A_2, %dma_wait3A_51] : memref<10112x128xf32, #tpu.memory_space<vmem_shared>> -> memref<632x128xf32, #tpu.memory_space<vmem_shared>>
      tpu.wait_dma2 semaphore(%run_scoped3A : memref<!tpu.dma_semaphore, #tpu.memory_space<semaphore_mem>>) src(%dma_wait3A_52 : memref<632x128xf32, #tpu.memory_space<vmem_shared>>) dst(%dma_wait3A_50 : memref<632x128xf32, #tpu.memory_space<hbm>>)
      tpu.yield
    }) : () -> ()
    return
  }
}

#map = affine_map<(d0, d1) -> (0, 0)>
#map1 = affine_map<(d0, d1) -> (0, 0, 0)>
module attributes {stable_mosaic.version = 14 : i64} {
  func.func @_sc_scat(%arg0: i32, %arg1: i32, %arg2: memref<10112x128xf32, #tpu.memory_space<hbm>>, %arg3: memref<32x80x128xi32, #tpu.memory_space<hbm>>, %arg4: memref<32x80x128xi32, #tpu.memory_space<hbm>>, %arg5: memref<10112x128xf32, #tpu.memory_space<hbm>>, %arg6: memref<2x10112x128xf32, #tpu.memory_space<hbm>>, %arg7: memref<40x128xi32, #tpu.memory_space<vmem>>, %arg8: memref<40x128xi32, #tpu.memory_space<vmem>>, %arg9: memref<2x128x128xf32, #tpu.memory_space<vmem>>, %arg10: memref<10112x128xf32, #tpu.memory_space<vmem_shared>>, %arg11: memref<!tpu.dma_semaphore, #tpu.memory_space<semaphore_mem>>, %arg12: memref<!tpu.dma_semaphore, #tpu.memory_space<semaphore_mem>>) attributes {dimension_semantics = [#tpu.dimension_semantics<core_parallel>, #tpu.dimension_semantics<subcore_parallel>], iteration_bounds = array<i64: 2, 16>, scalar_prefetch = 0 : i64, scratch_operands = 6 : i64, tpu.core_type = #tpu.core_type<sc_vector_subcore>, window_params = [{transform_indices = #map}, {transform_indices = #map1}, {transform_indices = #map1}, {transform_indices = #map}, {transform_indices = #map1}]} {
    %mul3A = arith.constant 16 : i32
    %mul3A_0 = arith.muli %arg0, %mul3A : i32
    %add3A = arith.addi %mul3A_0, %arg1 : i32
    %mul3A_1 = arith.constant 632 : i32
    %mul3A_2 = arith.muli %arg1, %mul3A_1 : i32
    %eq3A = arith.constant 0 : i32
    %eq3A_3 = arith.cmpi eq, %arg0, %eq3A : i32
    %convert_element_type3A = arith.extui %eq3A_3 : i1 to i32
    %cond3A = arith.constant 0 : i32
    %cond3A_4 = arith.cmpi ne, %convert_element_type3A, %cond3A : i32
    scf.if %cond3A_4 {
      "tpu.region"() ({
        %run_scoped3A = tpu.sem_alloc : memref<!tpu.dma_semaphore, #tpu.memory_space<semaphore_mem>>
        %dma_start3A_44 = arith.constant 0 : i32
        %dma_start3A_45 = tpu.memref_slice %arg10[%mul3A_2, %dma_start3A_44] : memref<10112x128xf32, #tpu.memory_space<vmem_shared>> -> memref<632x128xf32, #tpu.memory_space<vmem_shared>>
        %dma_start3A_46 = arith.constant 0 : i32
        %dma_start3A_47 = tpu.memref_slice %arg2[%mul3A_2, %dma_start3A_46] : memref<10112x128xf32, #tpu.memory_space<hbm>> -> memref<632x128xf32, #tpu.memory_space<hbm>>
        tpu.enqueue_dma source(%dma_start3A_47 : memref<632x128xf32, #tpu.memory_space<hbm>>) target(%dma_start3A_45 : memref<632x128xf32, #tpu.memory_space<vmem_shared>>) target_semaphore(%run_scoped3A : memref<!tpu.dma_semaphore, #tpu.memory_space<semaphore_mem>>)
        %dma_wait3A = arith.constant 0 : i32
        %dma_wait3A_48 = tpu.memref_slice %arg10[%mul3A_2, %dma_wait3A] : memref<10112x128xf32, #tpu.memory_space<vmem_shared>> -> memref<632x128xf32, #tpu.memory_space<vmem_shared>>
        %dma_wait3A_49 = arith.constant 0 : i32
        %dma_wait3A_50 = tpu.memref_slice %arg2[%mul3A_2, %dma_wait3A_49] : memref<10112x128xf32, #tpu.memory_space<hbm>> -> memref<632x128xf32, #tpu.memory_space<hbm>>
        tpu.wait_dma2 semaphore(%run_scoped3A : memref<!tpu.dma_semaphore, #tpu.memory_space<semaphore_mem>>) src(%dma_wait3A_50 : memref<632x128xf32, #tpu.memory_space<hbm>>) dst(%dma_wait3A_48 : memref<632x128xf32, #tpu.memory_space<vmem_shared>>)
        tpu.yield
      }) : () -> ()
    } else {
    }
    %ne3A = arith.constant 0 : i32
    %ne3A_5 = arith.cmpi ne, %arg0, %ne3A : i32
    %convert_element_type3A_6 = arith.extui %ne3A_5 : i1 to i32
    %cond3A_7 = arith.constant 0 : i32
    %cond3A_8 = arith.cmpi ne, %convert_element_type3A_6, %cond3A_7 : i32
    scf.if %cond3A_8 {
      "tpu.region"() ({
        %run_scoped3A = tpu.sem_alloc : memref<!tpu.dma_semaphore, #tpu.memory_space<semaphore_mem>>
        %dma_start3A_44 = arith.constant 0 : i32
        %dma_start3A_45 = tpu.memref_slice %arg10[%mul3A_2, %dma_start3A_44] : memref<10112x128xf32, #tpu.memory_space<vmem_shared>> -> memref<632x128xf32, #tpu.memory_space<vmem_shared>>
        %dma_start3A_46 = arith.constant 0 : i32
        %dma_start3A_47 = tpu.memref_slice %arg5[%mul3A_2, %dma_start3A_46] : memref<10112x128xf32, #tpu.memory_space<hbm>> -> memref<632x128xf32, #tpu.memory_space<hbm>>
        tpu.enqueue_dma source(%dma_start3A_47 : memref<632x128xf32, #tpu.memory_space<hbm>>) target(%dma_start3A_45 : memref<632x128xf32, #tpu.memory_space<vmem_shared>>) target_semaphore(%run_scoped3A : memref<!tpu.dma_semaphore, #tpu.memory_space<semaphore_mem>>)
        %dma_wait3A = arith.constant 0 : i32
        %dma_wait3A_48 = tpu.memref_slice %arg10[%mul3A_2, %dma_wait3A] : memref<10112x128xf32, #tpu.memory_space<vmem_shared>> -> memref<632x128xf32, #tpu.memory_space<vmem_shared>>
        %dma_wait3A_49 = arith.constant 0 : i32
        %dma_wait3A_50 = tpu.memref_slice %arg5[%mul3A_2, %dma_wait3A_49] : memref<10112x128xf32, #tpu.memory_space<hbm>> -> memref<632x128xf32, #tpu.memory_space<hbm>>
        tpu.wait_dma2 semaphore(%run_scoped3A : memref<!tpu.dma_semaphore, #tpu.memory_space<semaphore_mem>>) src(%dma_wait3A_50 : memref<632x128xf32, #tpu.memory_space<hbm>>) dst(%dma_wait3A_48 : memref<632x128xf32, #tpu.memory_space<vmem_shared>>)
        tpu.yield
      }) : () -> ()
    } else {
    }
    %barrier3A = arith.constant 0 : index
    tpu.barrier barrier_id(%barrier3A)
    "tpu.region"() ({
      %run_scoped3A = tpu.sem_alloc : memref<!tpu.dma_semaphore, #tpu.memory_space<semaphore_mem>>
      %dma_start3A_44 = arith.constant 0 : i32
      %dma_start3A_45 = arith.constant 0 : i32
      %dma_start3A_46 = tpu.memref_slice %arg3[%add3A, %dma_start3A_44, %dma_start3A_45] : memref<32x80x128xi32, #tpu.memory_space<hbm>> -> memref<1x40x128xi32, #tpu.memory_space<hbm>>
      %dma_start3A_47 = tpu.memref_squeeze %dma_start3A_46 : memref<1x40x128xi32, #tpu.memory_space<hbm>> -> memref<40x128xi32, #tpu.memory_space<hbm>>
      %dma_start3A_48 = arith.constant 0 : i32
      %dma_start3A_49 = arith.constant 0 : i32
      %dma_start3A_50 = tpu.memref_slice %arg3[%add3A, %dma_start3A_48, %dma_start3A_49] : memref<32x80x128xi32, #tpu.memory_space<hbm>> -> memref<1x40x128xi32, #tpu.memory_space<hbm>>
      %dma_start3A_51 = tpu.memref_squeeze %dma_start3A_50 : memref<1x40x128xi32, #tpu.memory_space<hbm>> -> memref<40x128xi32, #tpu.memory_space<hbm>>
      tpu.enqueue_dma source(%dma_start3A_51 : memref<40x128xi32, #tpu.memory_space<hbm>>) target(%arg7 : memref<40x128xi32, #tpu.memory_space<vmem>>) target_semaphore(%run_scoped3A : memref<!tpu.dma_semaphore, #tpu.memory_space<semaphore_mem>>)
      %dma_wait3A = arith.constant 0 : i32
      %dma_wait3A_52 = arith.constant 0 : i32
      %dma_wait3A_53 = tpu.memref_slice %arg3[%add3A, %dma_wait3A, %dma_wait3A_52] : memref<32x80x128xi32, #tpu.memory_space<hbm>> -> memref<1x40x128xi32, #tpu.memory_space<hbm>>
      %dma_wait3A_54 = tpu.memref_squeeze %dma_wait3A_53 : memref<1x40x128xi32, #tpu.memory_space<hbm>> -> memref<40x128xi32, #tpu.memory_space<hbm>>
      %dma_wait3A_55 = arith.constant 0 : i32
      %dma_wait3A_56 = arith.constant 0 : i32
      %dma_wait3A_57 = tpu.memref_slice %arg3[%add3A, %dma_wait3A_55, %dma_wait3A_56] : memref<32x80x128xi32, #tpu.memory_space<hbm>> -> memref<1x40x128xi32, #tpu.memory_space<hbm>>
      %dma_wait3A_58 = tpu.memref_squeeze %dma_wait3A_57 : memref<1x40x128xi32, #tpu.memory_space<hbm>> -> memref<40x128xi32, #tpu.memory_space<hbm>>
      tpu.wait_dma2 semaphore(%run_scoped3A : memref<!tpu.dma_semaphore, #tpu.memory_space<semaphore_mem>>) src(%dma_wait3A_58 : memref<40x128xi32, #tpu.memory_space<hbm>>) dst(%arg7 : memref<40x128xi32, #tpu.memory_space<vmem>>)
      tpu.yield
    }) : () -> ()
    "tpu.region"() ({
      %run_scoped3A = tpu.sem_alloc : memref<!tpu.dma_semaphore, #tpu.memory_space<semaphore_mem>>
      %dma_start3A_44 = arith.constant 0 : i32
      %dma_start3A_45 = arith.constant 0 : i32
      %dma_start3A_46 = tpu.memref_slice %arg4[%add3A, %dma_start3A_44, %dma_start3A_45] : memref<32x80x128xi32, #tpu.memory_space<hbm>> -> memref<1x40x128xi32, #tpu.memory_space<hbm>>
      %dma_start3A_47 = tpu.memref_squeeze %dma_start3A_46 : memref<1x40x128xi32, #tpu.memory_space<hbm>> -> memref<40x128xi32, #tpu.memory_space<hbm>>
      %dma_start3A_48 = arith.constant 0 : i32
      %dma_start3A_49 = arith.constant 0 : i32
      %dma_start3A_50 = tpu.memref_slice %arg4[%add3A, %dma_start3A_48, %dma_start3A_49] : memref<32x80x128xi32, #tpu.memory_space<hbm>> -> memref<1x40x128xi32, #tpu.memory_space<hbm>>
      %dma_start3A_51 = tpu.memref_squeeze %dma_start3A_50 : memref<1x40x128xi32, #tpu.memory_space<hbm>> -> memref<40x128xi32, #tpu.memory_space<hbm>>
      tpu.enqueue_dma source(%dma_start3A_51 : memref<40x128xi32, #tpu.memory_space<hbm>>) target(%arg8 : memref<40x128xi32, #tpu.memory_space<vmem>>) target_semaphore(%run_scoped3A : memref<!tpu.dma_semaphore, #tpu.memory_space<semaphore_mem>>)
      %dma_wait3A = arith.constant 0 : i32
      %dma_wait3A_52 = arith.constant 0 : i32
      %dma_wait3A_53 = tpu.memref_slice %arg4[%add3A, %dma_wait3A, %dma_wait3A_52] : memref<32x80x128xi32, #tpu.memory_space<hbm>> -> memref<1x40x128xi32, #tpu.memory_space<hbm>>
      %dma_wait3A_54 = tpu.memref_squeeze %dma_wait3A_53 : memref<1x40x128xi32, #tpu.memory_space<hbm>> -> memref<40x128xi32, #tpu.memory_space<hbm>>
      %dma_wait3A_55 = arith.constant 0 : i32
      %dma_wait3A_56 = arith.constant 0 : i32
      %dma_wait3A_57 = tpu.memref_slice %arg4[%add3A, %dma_wait3A_55, %dma_wait3A_56] : memref<32x80x128xi32, #tpu.memory_space<hbm>> -> memref<1x40x128xi32, #tpu.memory_space<hbm>>
      %dma_wait3A_58 = tpu.memref_squeeze %dma_wait3A_57 : memref<1x40x128xi32, #tpu.memory_space<hbm>> -> memref<40x128xi32, #tpu.memory_space<hbm>>
      tpu.wait_dma2 semaphore(%run_scoped3A : memref<!tpu.dma_semaphore, #tpu.memory_space<semaphore_mem>>) src(%dma_wait3A_58 : memref<40x128xi32, #tpu.memory_space<hbm>>) dst(%arg8 : memref<40x128xi32, #tpu.memory_space<vmem>>)
      tpu.yield
    }) : () -> ()
    %dma_start3A = arith.constant 0 : i32
    %dma_start3A_9 = arith.constant 0 : i32
    %dma_start3A_10 = arith.constant 0 : i32
    %dma_start3A_11 = arith.constant 0 : i32
    %dma_start3A_12 = tpu.memref_slice %arg9[%dma_start3A_9, %dma_start3A_10, %dma_start3A_11] : memref<2x128x128xf32, #tpu.memory_space<vmem>> -> memref<1x128x128xf32, #tpu.memory_space<vmem>>
    %dma_start3A_13 = tpu.memref_squeeze %dma_start3A_12 : memref<1x128x128xf32, #tpu.memory_space<vmem>> -> memref<128x128xf32, #tpu.memory_space<vmem>>
    %dma_start3A_14 = arith.constant 0 : i32
    %dma_start3A_15 = tpu.memref_slice %arg7[%dma_start3A, %dma_start3A_14] : memref<40x128xi32, #tpu.memory_space<vmem>> -> memref<1x128xi32, #tpu.memory_space<vmem>>
    %dma_start3A_16 = tpu.memref_squeeze %dma_start3A_15 : memref<1x128xi32, #tpu.memory_space<vmem>> -> memref<128xi32, #tpu.memory_space<vmem>>
    %dma_start3A_17 = arith.constant 0 : i32
    %dma_start3A_18 = arith.constant 0 : i32
    %dma_start3A_19 = tpu.memref_slice %arg2[%dma_start3A_17, %dma_start3A_18] : memref<10112x128xf32, #tpu.memory_space<hbm>> -> memref<10112x128xf32, #tpu.memory_space<hbm>>
    tpu.enqueue_indirect_dma source(%dma_start3A_19 : memref<10112x128xf32, #tpu.memory_space<hbm>>) target(%dma_start3A_13 : memref<128x128xf32, #tpu.memory_space<vmem>>) offsets(%dma_start3A_16 : memref<128xi32, #tpu.memory_space<vmem>>) semaphore(%arg11 : memref<!tpu.dma_semaphore, #tpu.memory_space<semaphore_mem>>)
    %scan3A = arith.constant 0 : i32
    %scan3A_20 = arith.constant 0 : i32
    %scan3A_21 = arith.constant 20 : i32
    %scan3A_22 = arith.addi %scan3A_20, %scan3A_21 : i32
    %scan3A_23 = arith.constant 1 : i32
    scf.for %scan3A_44 = %scan3A_20 to %scan3A_22 step %scan3A_23  : i32 {
      %mul3A_45 = arith.constant 2 : i32
      %mul3A_46 = arith.muli %mul3A_45, %scan3A_44 : i32
      %dma_wait3A = arith.constant 0 : i32
      %dma_wait3A_47 = arith.constant 0 : i32
      %dma_wait3A_48 = arith.constant 0 : i32
      %dma_wait3A_49 = arith.constant 0 : i32
      %dma_wait3A_50 = tpu.memref_slice %arg9[%dma_wait3A_47, %dma_wait3A_48, %dma_wait3A_49] : memref<2x128x128xf32, #tpu.memory_space<vmem>> -> memref<1x128x128xf32, #tpu.memory_space<vmem>>
      %dma_wait3A_51 = tpu.memref_squeeze %dma_wait3A_50 : memref<1x128x128xf32, #tpu.memory_space<vmem>> -> memref<128x128xf32, #tpu.memory_space<vmem>>
      %dma_wait3A_52 = arith.constant 0 : i32
      %dma_wait3A_53 = tpu.memref_slice %arg7[%dma_wait3A, %dma_wait3A_52] : memref<40x128xi32, #tpu.memory_space<vmem>> -> memref<1x128xi32, #tpu.memory_space<vmem>>
      %dma_wait3A_54 = tpu.memref_squeeze %dma_wait3A_53 : memref<1x128xi32, #tpu.memory_space<vmem>> -> memref<128xi32, #tpu.memory_space<vmem>>
      %dma_wait3A_55 = arith.constant 0 : i32
      %dma_wait3A_56 = arith.constant 0 : i32
      %dma_wait3A_57 = tpu.memref_slice %arg2[%dma_wait3A_55, %dma_wait3A_56] : memref<10112x128xf32, #tpu.memory_space<hbm>> -> memref<10112x128xf32, #tpu.memory_space<hbm>>
      tpu.wait_indirect_dma semaphore(%arg11 : memref<!tpu.dma_semaphore, #tpu.memory_space<semaphore_mem>>) src(%dma_wait3A_57 : memref<10112x128xf32, #tpu.memory_space<hbm>>) dst(%dma_wait3A_51 : memref<128x128xf32, #tpu.memory_space<vmem>>)
      %add3A_58 = arith.constant 1 : i32
      %add3A_59 = arith.addi %mul3A_46, %add3A_58 : i32
      %dma_start3A_60 = arith.constant 1 : i32
      %dma_start3A_61 = arith.constant 0 : i32
      %dma_start3A_62 = arith.constant 0 : i32
      %dma_start3A_63 = tpu.memref_slice %arg9[%dma_start3A_60, %dma_start3A_61, %dma_start3A_62] : memref<2x128x128xf32, #tpu.memory_space<vmem>> -> memref<1x128x128xf32, #tpu.memory_space<vmem>>
      %dma_start3A_64 = tpu.memref_squeeze %dma_start3A_63 : memref<1x128x128xf32, #tpu.memory_space<vmem>> -> memref<128x128xf32, #tpu.memory_space<vmem>>
      %dma_start3A_65 = arith.constant 0 : i32
      %dma_start3A_66 = tpu.memref_slice %arg7[%add3A_59, %dma_start3A_65] : memref<40x128xi32, #tpu.memory_space<vmem>> -> memref<1x128xi32, #tpu.memory_space<vmem>>
      %dma_start3A_67 = tpu.memref_squeeze %dma_start3A_66 : memref<1x128xi32, #tpu.memory_space<vmem>> -> memref<128xi32, #tpu.memory_space<vmem>>
      %dma_start3A_68 = arith.constant 0 : i32
      %dma_start3A_69 = arith.constant 0 : i32
      %dma_start3A_70 = tpu.memref_slice %arg2[%dma_start3A_68, %dma_start3A_69] : memref<10112x128xf32, #tpu.memory_space<hbm>> -> memref<10112x128xf32, #tpu.memory_space<hbm>>
      tpu.enqueue_indirect_dma source(%dma_start3A_70 : memref<10112x128xf32, #tpu.memory_space<hbm>>) target(%dma_start3A_64 : memref<128x128xf32, #tpu.memory_space<vmem>>) offsets(%dma_start3A_67 : memref<128xi32, #tpu.memory_space<vmem>>) semaphore(%arg12 : memref<!tpu.dma_semaphore, #tpu.memory_space<semaphore_mem>>)
      %run_scoped3A = arith.constant 0 : i32
      "tpu.region"() ({
        %run_scoped3A_92 = tpu.sem_alloc : memref<!tpu.dma_semaphore, #tpu.memory_space<semaphore_mem>>
        %dma_start3A_93 = arith.constant 0 : i32
        %dma_start3A_94 = arith.constant 0 : i32
        %dma_start3A_95 = tpu.memref_slice %arg9[%run_scoped3A, %dma_start3A_93, %dma_start3A_94] : memref<2x128x128xf32, #tpu.memory_space<vmem>> -> memref<1x128x128xf32, #tpu.memory_space<vmem>>
        %dma_start3A_96 = tpu.memref_squeeze %dma_start3A_95 : memref<1x128x128xf32, #tpu.memory_space<vmem>> -> memref<128x128xf32, #tpu.memory_space<vmem>>
        %dma_start3A_97 = arith.constant 0 : i32
        %dma_start3A_98 = tpu.memref_slice %arg8[%mul3A_46, %dma_start3A_97] : memref<40x128xi32, #tpu.memory_space<vmem>> -> memref<1x128xi32, #tpu.memory_space<vmem>>
        %dma_start3A_99 = tpu.memref_squeeze %dma_start3A_98 : memref<1x128xi32, #tpu.memory_space<vmem>> -> memref<128xi32, #tpu.memory_space<vmem>>
        %dma_start3A_100 = arith.constant 0 : i32
        %dma_start3A_101 = arith.constant 0 : i32
        %dma_start3A_102 = tpu.memref_slice %arg10[%dma_start3A_100, %dma_start3A_101] : memref<10112x128xf32, #tpu.memory_space<vmem_shared>> -> memref<10112x128xf32, #tpu.memory_space<vmem_shared>>
        tpu.enqueue_indirect_dma source(%dma_start3A_96 : memref<128x128xf32, #tpu.memory_space<vmem>>) target(%dma_start3A_102 : memref<10112x128xf32, #tpu.memory_space<vmem_shared>>) offsets(%dma_start3A_99 : memref<128xi32, #tpu.memory_space<vmem>>) semaphore(%run_scoped3A_92 : memref<!tpu.dma_semaphore, #tpu.memory_space<semaphore_mem>>) {add = true}
        %dma_wait3A_103 = arith.constant 0 : i32
        %dma_wait3A_104 = arith.constant 0 : i32
        %dma_wait3A_105 = tpu.memref_slice %arg9[%run_scoped3A, %dma_wait3A_103, %dma_wait3A_104] : memref<2x128x128xf32, #tpu.memory_space<vmem>> -> memref<1x128x128xf32, #tpu.memory_space<vmem>>
        %dma_wait3A_106 = tpu.memref_squeeze %dma_wait3A_105 : memref<1x128x128xf32, #tpu.memory_space<vmem>> -> memref<128x128xf32, #tpu.memory_space<vmem>>
        %dma_wait3A_107 = arith.constant 0 : i32
        %dma_wait3A_108 = tpu.memref_slice %arg8[%mul3A_46, %dma_wait3A_107] : memref<40x128xi32, #tpu.memory_space<vmem>> -> memref<1x128xi32, #tpu.memory_space<vmem>>
        %dma_wait3A_109 = tpu.memref_squeeze %dma_wait3A_108 : memref<1x128xi32, #tpu.memory_space<vmem>> -> memref<128xi32, #tpu.memory_space<vmem>>
        %dma_wait3A_110 = arith.constant 0 : i32
        %dma_wait3A_111 = arith.constant 0 : i32
        %dma_wait3A_112 = tpu.memref_slice %arg10[%dma_wait3A_110, %dma_wait3A_111] : memref<10112x128xf32, #tpu.memory_space<vmem_shared>> -> memref<10112x128xf32, #tpu.memory_space<vmem_shared>>
        tpu.wait_indirect_dma semaphore(%run_scoped3A_92 : memref<!tpu.dma_semaphore, #tpu.memory_space<semaphore_mem>>) src(%dma_wait3A_106 : memref<128x128xf32, #tpu.memory_space<vmem>>) dst(%dma_wait3A_112 : memref<10112x128xf32, #tpu.memory_space<vmem_shared>>)
        tpu.yield
      }) : () -> ()
      %add3A_71 = arith.constant 2 : i32
      %add3A_72 = arith.addi %mul3A_46, %add3A_71 : i32
      %lt3A = arith.constant 40 : i32
      %lt3A_73 = arith.cmpi slt, %add3A_72, %lt3A : i32
      %convert_element_type3A_74 = arith.extui %lt3A_73 : i1 to i32
      %cond3A_75 = arith.constant 0 : i32
      %cond3A_76 = arith.cmpi ne, %convert_element_type3A_74, %cond3A_75 : i32
      scf.if %cond3A_76 {
        %add3A_92 = arith.constant 2 : i32
        %add3A_93 = arith.addi %mul3A_46, %add3A_92 : i32
        %dma_start3A_94 = arith.constant 0 : i32
        %dma_start3A_95 = arith.constant 0 : i32
        %dma_start3A_96 = arith.constant 0 : i32
        %dma_start3A_97 = tpu.memref_slice %arg9[%dma_start3A_94, %dma_start3A_95, %dma_start3A_96] : memref<2x128x128xf32, #tpu.memory_space<vmem>> -> memref<1x128x128xf32, #tpu.memory_space<vmem>>
        %dma_start3A_98 = tpu.memref_squeeze %dma_start3A_97 : memref<1x128x128xf32, #tpu.memory_space<vmem>> -> memref<128x128xf32, #tpu.memory_space<vmem>>
        %dma_start3A_99 = arith.constant 0 : i32
        %dma_start3A_100 = tpu.memref_slice %arg7[%add3A_93, %dma_start3A_99] : memref<40x128xi32, #tpu.memory_space<vmem>> -> memref<1x128xi32, #tpu.memory_space<vmem>>
        %dma_start3A_101 = tpu.memref_squeeze %dma_start3A_100 : memref<1x128xi32, #tpu.memory_space<vmem>> -> memref<128xi32, #tpu.memory_space<vmem>>
        %dma_start3A_102 = arith.constant 0 : i32
        %dma_start3A_103 = arith.constant 0 : i32
        %dma_start3A_104 = tpu.memref_slice %arg2[%dma_start3A_102, %dma_start3A_103] : memref<10112x128xf32, #tpu.memory_space<hbm>> -> memref<10112x128xf32, #tpu.memory_space<hbm>>
        tpu.enqueue_indirect_dma source(%dma_start3A_104 : memref<10112x128xf32, #tpu.memory_space<hbm>>) target(%dma_start3A_98 : memref<128x128xf32, #tpu.memory_space<vmem>>) offsets(%dma_start3A_101 : memref<128xi32, #tpu.memory_space<vmem>>) semaphore(%arg11 : memref<!tpu.dma_semaphore, #tpu.memory_space<semaphore_mem>>)
      } else {
      }
      %dma_wait3A_77 = arith.constant 0 : i32
      %dma_wait3A_78 = arith.constant 1 : i32
      %dma_wait3A_79 = arith.constant 0 : i32
      %dma_wait3A_80 = arith.constant 0 : i32
      %dma_wait3A_81 = tpu.memref_slice %arg9[%dma_wait3A_78, %dma_wait3A_79, %dma_wait3A_80] : memref<2x128x128xf32, #tpu.memory_space<vmem>> -> memref<1x128x128xf32, #tpu.memory_space<vmem>>
      %dma_wait3A_82 = tpu.memref_squeeze %dma_wait3A_81 : memref<1x128x128xf32, #tpu.memory_space<vmem>> -> memref<128x128xf32, #tpu.memory_space<vmem>>
      %dma_wait3A_83 = arith.constant 0 : i32
      %dma_wait3A_84 = tpu.memref_slice %arg7[%dma_wait3A_77, %dma_wait3A_83] : memref<40x128xi32, #tpu.memory_space<vmem>> -> memref<1x128xi32, #tpu.memory_space<vmem>>
      %dma_wait3A_85 = tpu.memref_squeeze %dma_wait3A_84 : memref<1x128xi32, #tpu.memory_space<vmem>> -> memref<128xi32, #tpu.memory_space<vmem>>
      %dma_wait3A_86 = arith.constant 0 : i32
      %dma_wait3A_87 = arith.constant 0 : i32
      %dma_wait3A_88 = tpu.memref_slice %arg2[%dma_wait3A_86, %dma_wait3A_87] : memref<10112x128xf32, #tpu.memory_space<hbm>> -> memref<10112x128xf32, #tpu.memory_space<hbm>>
      tpu.wait_indirect_dma semaphore(%arg12 : memref<!tpu.dma_semaphore, #tpu.memory_space<semaphore_mem>>) src(%dma_wait3A_88 : memref<10112x128xf32, #tpu.memory_space<hbm>>) dst(%dma_wait3A_82 : memref<128x128xf32, #tpu.memory_space<vmem>>)
      %add3A_89 = arith.constant 1 : i32
      %add3A_90 = arith.addi %mul3A_46, %add3A_89 : i32
      %run_scoped3A_91 = arith.constant 1 : i32
      "tpu.region"() ({
        %run_scoped3A_92 = tpu.sem_alloc : memref<!tpu.dma_semaphore, #tpu.memory_space<semaphore_mem>>
        %dma_start3A_93 = arith.constant 0 : i32
        %dma_start3A_94 = arith.constant 0 : i32
        %dma_start3A_95 = tpu.memref_slice %arg9[%run_scoped3A_91, %dma_start3A_93, %dma_start3A_94] : memref<2x128x128xf32, #tpu.memory_space<vmem>> -> memref<1x128x128xf32, #tpu.memory_space<vmem>>
        %dma_start3A_96 = tpu.memref_squeeze %dma_start3A_95 : memref<1x128x128xf32, #tpu.memory_space<vmem>> -> memref<128x128xf32, #tpu.memory_space<vmem>>
        %dma_start3A_97 = arith.constant 0 : i32
        %dma_start3A_98 = tpu.memref_slice %arg8[%add3A_90, %dma_start3A_97] : memref<40x128xi32, #tpu.memory_space<vmem>> -> memref<1x128xi32, #tpu.memory_space<vmem>>
        %dma_start3A_99 = tpu.memref_squeeze %dma_start3A_98 : memref<1x128xi32, #tpu.memory_space<vmem>> -> memref<128xi32, #tpu.memory_space<vmem>>
        %dma_start3A_100 = arith.constant 0 : i32
        %dma_start3A_101 = arith.constant 0 : i32
        %dma_start3A_102 = tpu.memref_slice %arg10[%dma_start3A_100, %dma_start3A_101] : memref<10112x128xf32, #tpu.memory_space<vmem_shared>> -> memref<10112x128xf32, #tpu.memory_space<vmem_shared>>
        tpu.enqueue_indirect_dma source(%dma_start3A_96 : memref<128x128xf32, #tpu.memory_space<vmem>>) target(%dma_start3A_102 : memref<10112x128xf32, #tpu.memory_space<vmem_shared>>) offsets(%dma_start3A_99 : memref<128xi32, #tpu.memory_space<vmem>>) semaphore(%run_scoped3A_92 : memref<!tpu.dma_semaphore, #tpu.memory_space<semaphore_mem>>) {add = true}
        %dma_wait3A_103 = arith.constant 0 : i32
        %dma_wait3A_104 = arith.constant 0 : i32
        %dma_wait3A_105 = tpu.memref_slice %arg9[%run_scoped3A_91, %dma_wait3A_103, %dma_wait3A_104] : memref<2x128x128xf32, #tpu.memory_space<vmem>> -> memref<1x128x128xf32, #tpu.memory_space<vmem>>
        %dma_wait3A_106 = tpu.memref_squeeze %dma_wait3A_105 : memref<1x128x128xf32, #tpu.memory_space<vmem>> -> memref<128x128xf32, #tpu.memory_space<vmem>>
        %dma_wait3A_107 = arith.constant 0 : i32
        %dma_wait3A_108 = tpu.memref_slice %arg8[%add3A_90, %dma_wait3A_107] : memref<40x128xi32, #tpu.memory_space<vmem>> -> memref<1x128xi32, #tpu.memory_space<vmem>>
        %dma_wait3A_109 = tpu.memref_squeeze %dma_wait3A_108 : memref<1x128xi32, #tpu.memory_space<vmem>> -> memref<128xi32, #tpu.memory_space<vmem>>
        %dma_wait3A_110 = arith.constant 0 : i32
        %dma_wait3A_111 = arith.constant 0 : i32
        %dma_wait3A_112 = tpu.memref_slice %arg10[%dma_wait3A_110, %dma_wait3A_111] : memref<10112x128xf32, #tpu.memory_space<vmem_shared>> -> memref<10112x128xf32, #tpu.memory_space<vmem_shared>>
        tpu.wait_indirect_dma semaphore(%run_scoped3A_92 : memref<!tpu.dma_semaphore, #tpu.memory_space<semaphore_mem>>) src(%dma_wait3A_106 : memref<128x128xf32, #tpu.memory_space<vmem>>) dst(%dma_wait3A_112 : memref<10112x128xf32, #tpu.memory_space<vmem_shared>>)
        tpu.yield
      }) : () -> ()
    }
    %scan3A_24 = arith.constant 20 : i32
    "tpu.region"() ({
      %run_scoped3A = tpu.sem_alloc : memref<!tpu.dma_semaphore, #tpu.memory_space<semaphore_mem>>
      %dma_start3A_44 = arith.constant 40 : i32
      %dma_start3A_45 = arith.constant 0 : i32
      %dma_start3A_46 = tpu.memref_slice %arg3[%add3A, %dma_start3A_44, %dma_start3A_45] : memref<32x80x128xi32, #tpu.memory_space<hbm>> -> memref<1x40x128xi32, #tpu.memory_space<hbm>>
      %dma_start3A_47 = tpu.memref_squeeze %dma_start3A_46 : memref<1x40x128xi32, #tpu.memory_space<hbm>> -> memref<40x128xi32, #tpu.memory_space<hbm>>
      %dma_start3A_48 = arith.constant 40 : i32
      %dma_start3A_49 = arith.constant 0 : i32
      %dma_start3A_50 = tpu.memref_slice %arg3[%add3A, %dma_start3A_48, %dma_start3A_49] : memref<32x80x128xi32, #tpu.memory_space<hbm>> -> memref<1x40x128xi32, #tpu.memory_space<hbm>>
      %dma_start3A_51 = tpu.memref_squeeze %dma_start3A_50 : memref<1x40x128xi32, #tpu.memory_space<hbm>> -> memref<40x128xi32, #tpu.memory_space<hbm>>
      tpu.enqueue_dma source(%dma_start3A_51 : memref<40x128xi32, #tpu.memory_space<hbm>>) target(%arg7 : memref<40x128xi32, #tpu.memory_space<vmem>>) target_semaphore(%run_scoped3A : memref<!tpu.dma_semaphore, #tpu.memory_space<semaphore_mem>>)
      %dma_wait3A = arith.constant 40 : i32
      %dma_wait3A_52 = arith.constant 0 : i32
      %dma_wait3A_53 = tpu.memref_slice %arg3[%add3A, %dma_wait3A, %dma_wait3A_52] : memref<32x80x128xi32, #tpu.memory_space<hbm>> -> memref<1x40x128xi32, #tpu.memory_space<hbm>>
      %dma_wait3A_54 = tpu.memref_squeeze %dma_wait3A_53 : memref<1x40x128xi32, #tpu.memory_space<hbm>> -> memref<40x128xi32, #tpu.memory_space<hbm>>
      %dma_wait3A_55 = arith.constant 40 : i32
      %dma_wait3A_56 = arith.constant 0 : i32
      %dma_wait3A_57 = tpu.memref_slice %arg3[%add3A, %dma_wait3A_55, %dma_wait3A_56] : memref<32x80x128xi32, #tpu.memory_space<hbm>> -> memref<1x40x128xi32, #tpu.memory_space<hbm>>
      %dma_wait3A_58 = tpu.memref_squeeze %dma_wait3A_57 : memref<1x40x128xi32, #tpu.memory_space<hbm>> -> memref<40x128xi32, #tpu.memory_space<hbm>>
      tpu.wait_dma2 semaphore(%run_scoped3A : memref<!tpu.dma_semaphore, #tpu.memory_space<semaphore_mem>>) src(%dma_wait3A_58 : memref<40x128xi32, #tpu.memory_space<hbm>>) dst(%arg7 : memref<40x128xi32, #tpu.memory_space<vmem>>)
      tpu.yield
    }) : () -> ()
    "tpu.region"() ({
      %run_scoped3A = tpu.sem_alloc : memref<!tpu.dma_semaphore, #tpu.memory_space<semaphore_mem>>
      %dma_start3A_44 = arith.constant 40 : i32
      %dma_start3A_45 = arith.constant 0 : i32
      %dma_start3A_46 = tpu.memref_slice %arg4[%add3A, %dma_start3A_44, %dma_start3A_45] : memref<32x80x128xi32, #tpu.memory_space<hbm>> -> memref<1x40x128xi32, #tpu.memory_space<hbm>>
      %dma_start3A_47 = tpu.memref_squeeze %dma_start3A_46 : memref<1x40x128xi32, #tpu.memory_space<hbm>> -> memref<40x128xi32, #tpu.memory_space<hbm>>
      %dma_start3A_48 = arith.constant 40 : i32
      %dma_start3A_49 = arith.constant 0 : i32
      %dma_start3A_50 = tpu.memref_slice %arg4[%add3A, %dma_start3A_48, %dma_start3A_49] : memref<32x80x128xi32, #tpu.memory_space<hbm>> -> memref<1x40x128xi32, #tpu.memory_space<hbm>>
      %dma_start3A_51 = tpu.memref_squeeze %dma_start3A_50 : memref<1x40x128xi32, #tpu.memory_space<hbm>> -> memref<40x128xi32, #tpu.memory_space<hbm>>
      tpu.enqueue_dma source(%dma_start3A_51 : memref<40x128xi32, #tpu.memory_space<hbm>>) target(%arg8 : memref<40x128xi32, #tpu.memory_space<vmem>>) target_semaphore(%run_scoped3A : memref<!tpu.dma_semaphore, #tpu.memory_space<semaphore_mem>>)
      %dma_wait3A = arith.constant 40 : i32
      %dma_wait3A_52 = arith.constant 0 : i32
      %dma_wait3A_53 = tpu.memref_slice %arg4[%add3A, %dma_wait3A, %dma_wait3A_52] : memref<32x80x128xi32, #tpu.memory_space<hbm>> -> memref<1x40x128xi32, #tpu.memory_space<hbm>>
      %dma_wait3A_54 = tpu.memref_squeeze %dma_wait3A_53 : memref<1x40x128xi32, #tpu.memory_space<hbm>> -> memref<40x128xi32, #tpu.memory_space<hbm>>
      %dma_wait3A_55 = arith.constant 40 : i32
      %dma_wait3A_56 = arith.constant 0 : i32
      %dma_wait3A_57 = tpu.memref_slice %arg4[%add3A, %dma_wait3A_55, %dma_wait3A_56] : memref<32x80x128xi32, #tpu.memory_space<hbm>> -> memref<1x40x128xi32, #tpu.memory_space<hbm>>
      %dma_wait3A_58 = tpu.memref_squeeze %dma_wait3A_57 : memref<1x40x128xi32, #tpu.memory_space<hbm>> -> memref<40x128xi32, #tpu.memory_space<hbm>>
      tpu.wait_dma2 semaphore(%run_scoped3A : memref<!tpu.dma_semaphore, #tpu.memory_space<semaphore_mem>>) src(%dma_wait3A_58 : memref<40x128xi32, #tpu.memory_space<hbm>>) dst(%arg8 : memref<40x128xi32, #tpu.memory_space<vmem>>)
      tpu.yield
    }) : () -> ()
    %dma_start3A_25 = arith.constant 0 : i32
    %dma_start3A_26 = arith.constant 0 : i32
    %dma_start3A_27 = arith.constant 0 : i32
    %dma_start3A_28 = arith.constant 0 : i32
    %dma_start3A_29 = tpu.memref_slice %arg9[%dma_start3A_26, %dma_start3A_27, %dma_start3A_28] : memref<2x128x128xf32, #tpu.memory_space<vmem>> -> memref<1x128x128xf32, #tpu.memory_space<vmem>>
    %dma_start3A_30 = tpu.memref_squeeze %dma_start3A_29 : memref<1x128x128xf32, #tpu.memory_space<vmem>> -> memref<128x128xf32, #tpu.memory_space<vmem>>
    %dma_start3A_31 = arith.constant 0 : i32
    %dma_start3A_32 = tpu.memref_slice %arg7[%dma_start3A_25, %dma_start3A_31] : memref<40x128xi32, #tpu.memory_space<vmem>> -> memref<1x128xi32, #tpu.memory_space<vmem>>
    %dma_start3A_33 = tpu.memref_squeeze %dma_start3A_32 : memref<1x128xi32, #tpu.memory_space<vmem>> -> memref<128xi32, #tpu.memory_space<vmem>>
    %dma_start3A_34 = arith.constant 0 : i32
    %dma_start3A_35 = arith.constant 0 : i32
    %dma_start3A_36 = tpu.memref_slice %arg2[%dma_start3A_34, %dma_start3A_35] : memref<10112x128xf32, #tpu.memory_space<hbm>> -> memref<10112x128xf32, #tpu.memory_space<hbm>>
    tpu.enqueue_indirect_dma source(%dma_start3A_36 : memref<10112x128xf32, #tpu.memory_space<hbm>>) target(%dma_start3A_30 : memref<128x128xf32, #tpu.memory_space<vmem>>) offsets(%dma_start3A_33 : memref<128xi32, #tpu.memory_space<vmem>>) semaphore(%arg11 : memref<!tpu.dma_semaphore, #tpu.memory_space<semaphore_mem>>)
    %scan3A_37 = arith.constant 0 : i32
    %scan3A_38 = arith.constant 0 : i32
    %scan3A_39 = arith.constant 20 : i32
    %scan3A_40 = arith.addi %scan3A_38, %scan3A_39 : i32
    %scan3A_41 = arith.constant 1 : i32
    scf.for %scan3A_44 = %scan3A_38 to %scan3A_40 step %scan3A_41  : i32 {
      %mul3A_45 = arith.constant 2 : i32
      %mul3A_46 = arith.muli %mul3A_45, %scan3A_44 : i32
      %dma_wait3A = arith.constant 0 : i32
      %dma_wait3A_47 = arith.constant 0 : i32
      %dma_wait3A_48 = arith.constant 0 : i32
      %dma_wait3A_49 = arith.constant 0 : i32
      %dma_wait3A_50 = tpu.memref_slice %arg9[%dma_wait3A_47, %dma_wait3A_48, %dma_wait3A_49] : memref<2x128x128xf32, #tpu.memory_space<vmem>> -> memref<1x128x128xf32, #tpu.memory_space<vmem>>
      %dma_wait3A_51 = tpu.memref_squeeze %dma_wait3A_50 : memref<1x128x128xf32, #tpu.memory_space<vmem>> -> memref<128x128xf32, #tpu.memory_space<vmem>>
      %dma_wait3A_52 = arith.constant 0 : i32
      %dma_wait3A_53 = tpu.memref_slice %arg7[%dma_wait3A, %dma_wait3A_52] : memref<40x128xi32, #tpu.memory_space<vmem>> -> memref<1x128xi32, #tpu.memory_space<vmem>>
      %dma_wait3A_54 = tpu.memref_squeeze %dma_wait3A_53 : memref<1x128xi32, #tpu.memory_space<vmem>> -> memref<128xi32, #tpu.memory_space<vmem>>
      %dma_wait3A_55 = arith.constant 0 : i32
      %dma_wait3A_56 = arith.constant 0 : i32
      %dma_wait3A_57 = tpu.memref_slice %arg2[%dma_wait3A_55, %dma_wait3A_56] : memref<10112x128xf32, #tpu.memory_space<hbm>> -> memref<10112x128xf32, #tpu.memory_space<hbm>>
      tpu.wait_indirect_dma semaphore(%arg11 : memref<!tpu.dma_semaphore, #tpu.memory_space<semaphore_mem>>) src(%dma_wait3A_57 : memref<10112x128xf32, #tpu.memory_space<hbm>>) dst(%dma_wait3A_51 : memref<128x128xf32, #tpu.memory_space<vmem>>)
      %add3A_58 = arith.constant 1 : i32
      %add3A_59 = arith.addi %mul3A_46, %add3A_58 : i32
      %dma_start3A_60 = arith.constant 1 : i32
      %dma_start3A_61 = arith.constant 0 : i32
      %dma_start3A_62 = arith.constant 0 : i32
      %dma_start3A_63 = tpu.memref_slice %arg9[%dma_start3A_60, %dma_start3A_61, %dma_start3A_62] : memref<2x128x128xf32, #tpu.memory_space<vmem>> -> memref<1x128x128xf32, #tpu.memory_space<vmem>>
      %dma_start3A_64 = tpu.memref_squeeze %dma_start3A_63 : memref<1x128x128xf32, #tpu.memory_space<vmem>> -> memref<128x128xf32, #tpu.memory_space<vmem>>
      %dma_start3A_65 = arith.constant 0 : i32
      %dma_start3A_66 = tpu.memref_slice %arg7[%add3A_59, %dma_start3A_65] : memref<40x128xi32, #tpu.memory_space<vmem>> -> memref<1x128xi32, #tpu.memory_space<vmem>>
      %dma_start3A_67 = tpu.memref_squeeze %dma_start3A_66 : memref<1x128xi32, #tpu.memory_space<vmem>> -> memref<128xi32, #tpu.memory_space<vmem>>
      %dma_start3A_68 = arith.constant 0 : i32
      %dma_start3A_69 = arith.constant 0 : i32
      %dma_start3A_70 = tpu.memref_slice %arg2[%dma_start3A_68, %dma_start3A_69] : memref<10112x128xf32, #tpu.memory_space<hbm>> -> memref<10112x128xf32, #tpu.memory_space<hbm>>
      tpu.enqueue_indirect_dma source(%dma_start3A_70 : memref<10112x128xf32, #tpu.memory_space<hbm>>) target(%dma_start3A_64 : memref<128x128xf32, #tpu.memory_space<vmem>>) offsets(%dma_start3A_67 : memref<128xi32, #tpu.memory_space<vmem>>) semaphore(%arg12 : memref<!tpu.dma_semaphore, #tpu.memory_space<semaphore_mem>>)
      %run_scoped3A = arith.constant 0 : i32
      "tpu.region"() ({
        %run_scoped3A_92 = tpu.sem_alloc : memref<!tpu.dma_semaphore, #tpu.memory_space<semaphore_mem>>
        %dma_start3A_93 = arith.constant 0 : i32
        %dma_start3A_94 = arith.constant 0 : i32
        %dma_start3A_95 = tpu.memref_slice %arg9[%run_scoped3A, %dma_start3A_93, %dma_start3A_94] : memref<2x128x128xf32, #tpu.memory_space<vmem>> -> memref<1x128x128xf32, #tpu.memory_space<vmem>>
        %dma_start3A_96 = tpu.memref_squeeze %dma_start3A_95 : memref<1x128x128xf32, #tpu.memory_space<vmem>> -> memref<128x128xf32, #tpu.memory_space<vmem>>
        %dma_start3A_97 = arith.constant 0 : i32
        %dma_start3A_98 = tpu.memref_slice %arg8[%mul3A_46, %dma_start3A_97] : memref<40x128xi32, #tpu.memory_space<vmem>> -> memref<1x128xi32, #tpu.memory_space<vmem>>
        %dma_start3A_99 = tpu.memref_squeeze %dma_start3A_98 : memref<1x128xi32, #tpu.memory_space<vmem>> -> memref<128xi32, #tpu.memory_space<vmem>>
        %dma_start3A_100 = arith.constant 0 : i32
        %dma_start3A_101 = arith.constant 0 : i32
        %dma_start3A_102 = tpu.memref_slice %arg10[%dma_start3A_100, %dma_start3A_101] : memref<10112x128xf32, #tpu.memory_space<vmem_shared>> -> memref<10112x128xf32, #tpu.memory_space<vmem_shared>>
        tpu.enqueue_indirect_dma source(%dma_start3A_96 : memref<128x128xf32, #tpu.memory_space<vmem>>) target(%dma_start3A_102 : memref<10112x128xf32, #tpu.memory_space<vmem_shared>>) offsets(%dma_start3A_99 : memref<128xi32, #tpu.memory_space<vmem>>) semaphore(%run_scoped3A_92 : memref<!tpu.dma_semaphore, #tpu.memory_space<semaphore_mem>>) {add = true}
        %dma_wait3A_103 = arith.constant 0 : i32
        %dma_wait3A_104 = arith.constant 0 : i32
        %dma_wait3A_105 = tpu.memref_slice %arg9[%run_scoped3A, %dma_wait3A_103, %dma_wait3A_104] : memref<2x128x128xf32, #tpu.memory_space<vmem>> -> memref<1x128x128xf32, #tpu.memory_space<vmem>>
        %dma_wait3A_106 = tpu.memref_squeeze %dma_wait3A_105 : memref<1x128x128xf32, #tpu.memory_space<vmem>> -> memref<128x128xf32, #tpu.memory_space<vmem>>
        %dma_wait3A_107 = arith.constant 0 : i32
        %dma_wait3A_108 = tpu.memref_slice %arg8[%mul3A_46, %dma_wait3A_107] : memref<40x128xi32, #tpu.memory_space<vmem>> -> memref<1x128xi32, #tpu.memory_space<vmem>>
        %dma_wait3A_109 = tpu.memref_squeeze %dma_wait3A_108 : memref<1x128xi32, #tpu.memory_space<vmem>> -> memref<128xi32, #tpu.memory_space<vmem>>
        %dma_wait3A_110 = arith.constant 0 : i32
        %dma_wait3A_111 = arith.constant 0 : i32
        %dma_wait3A_112 = tpu.memref_slice %arg10[%dma_wait3A_110, %dma_wait3A_111] : memref<10112x128xf32, #tpu.memory_space<vmem_shared>> -> memref<10112x128xf32, #tpu.memory_space<vmem_shared>>
        tpu.wait_indirect_dma semaphore(%run_scoped3A_92 : memref<!tpu.dma_semaphore, #tpu.memory_space<semaphore_mem>>) src(%dma_wait3A_106 : memref<128x128xf32, #tpu.memory_space<vmem>>) dst(%dma_wait3A_112 : memref<10112x128xf32, #tpu.memory_space<vmem_shared>>)
        tpu.yield
      }) : () -> ()
      %add3A_71 = arith.constant 2 : i32
      %add3A_72 = arith.addi %mul3A_46, %add3A_71 : i32
      %lt3A = arith.constant 40 : i32
      %lt3A_73 = arith.cmpi slt, %add3A_72, %lt3A : i32
      %convert_element_type3A_74 = arith.extui %lt3A_73 : i1 to i32
      %cond3A_75 = arith.constant 0 : i32
      %cond3A_76 = arith.cmpi ne, %convert_element_type3A_74, %cond3A_75 : i32
      scf.if %cond3A_76 {
        %add3A_92 = arith.constant 2 : i32
        %add3A_93 = arith.addi %mul3A_46, %add3A_92 : i32
        %dma_start3A_94 = arith.constant 0 : i32
        %dma_start3A_95 = arith.constant 0 : i32
        %dma_start3A_96 = arith.constant 0 : i32
        %dma_start3A_97 = tpu.memref_slice %arg9[%dma_start3A_94, %dma_start3A_95, %dma_start3A_96] : memref<2x128x128xf32, #tpu.memory_space<vmem>> -> memref<1x128x128xf32, #tpu.memory_space<vmem>>
        %dma_start3A_98 = tpu.memref_squeeze %dma_start3A_97 : memref<1x128x128xf32, #tpu.memory_space<vmem>> -> memref<128x128xf32, #tpu.memory_space<vmem>>
        %dma_start3A_99 = arith.constant 0 : i32
        %dma_start3A_100 = tpu.memref_slice %arg7[%add3A_93, %dma_start3A_99] : memref<40x128xi32, #tpu.memory_space<vmem>> -> memref<1x128xi32, #tpu.memory_space<vmem>>
        %dma_start3A_101 = tpu.memref_squeeze %dma_start3A_100 : memref<1x128xi32, #tpu.memory_space<vmem>> -> memref<128xi32, #tpu.memory_space<vmem>>
        %dma_start3A_102 = arith.constant 0 : i32
        %dma_start3A_103 = arith.constant 0 : i32
        %dma_start3A_104 = tpu.memref_slice %arg2[%dma_start3A_102, %dma_start3A_103] : memref<10112x128xf32, #tpu.memory_space<hbm>> -> memref<10112x128xf32, #tpu.memory_space<hbm>>
        tpu.enqueue_indirect_dma source(%dma_start3A_104 : memref<10112x128xf32, #tpu.memory_space<hbm>>) target(%dma_start3A_98 : memref<128x128xf32, #tpu.memory_space<vmem>>) offsets(%dma_start3A_101 : memref<128xi32, #tpu.memory_space<vmem>>) semaphore(%arg11 : memref<!tpu.dma_semaphore, #tpu.memory_space<semaphore_mem>>)
      } else {
      }
      %dma_wait3A_77 = arith.constant 0 : i32
      %dma_wait3A_78 = arith.constant 1 : i32
      %dma_wait3A_79 = arith.constant 0 : i32
      %dma_wait3A_80 = arith.constant 0 : i32
      %dma_wait3A_81 = tpu.memref_slice %arg9[%dma_wait3A_78, %dma_wait3A_79, %dma_wait3A_80] : memref<2x128x128xf32, #tpu.memory_space<vmem>> -> memref<1x128x128xf32, #tpu.memory_space<vmem>>
      %dma_wait3A_82 = tpu.memref_squeeze %dma_wait3A_81 : memref<1x128x128xf32, #tpu.memory_space<vmem>> -> memref<128x128xf32, #tpu.memory_space<vmem>>
      %dma_wait3A_83 = arith.constant 0 : i32
      %dma_wait3A_84 = tpu.memref_slice %arg7[%dma_wait3A_77, %dma_wait3A_83] : memref<40x128xi32, #tpu.memory_space<vmem>> -> memref<1x128xi32, #tpu.memory_space<vmem>>
      %dma_wait3A_85 = tpu.memref_squeeze %dma_wait3A_84 : memref<1x128xi32, #tpu.memory_space<vmem>> -> memref<128xi32, #tpu.memory_space<vmem>>
      %dma_wait3A_86 = arith.constant 0 : i32
      %dma_wait3A_87 = arith.constant 0 : i32
      %dma_wait3A_88 = tpu.memref_slice %arg2[%dma_wait3A_86, %dma_wait3A_87] : memref<10112x128xf32, #tpu.memory_space<hbm>> -> memref<10112x128xf32, #tpu.memory_space<hbm>>
      tpu.wait_indirect_dma semaphore(%arg12 : memref<!tpu.dma_semaphore, #tpu.memory_space<semaphore_mem>>) src(%dma_wait3A_88 : memref<10112x128xf32, #tpu.memory_space<hbm>>) dst(%dma_wait3A_82 : memref<128x128xf32, #tpu.memory_space<vmem>>)
      %add3A_89 = arith.constant 1 : i32
      %add3A_90 = arith.addi %mul3A_46, %add3A_89 : i32
      %run_scoped3A_91 = arith.constant 1 : i32
      "tpu.region"() ({
        %run_scoped3A_92 = tpu.sem_alloc : memref<!tpu.dma_semaphore, #tpu.memory_space<semaphore_mem>>
        %dma_start3A_93 = arith.constant 0 : i32
        %dma_start3A_94 = arith.constant 0 : i32
        %dma_start3A_95 = tpu.memref_slice %arg9[%run_scoped3A_91, %dma_start3A_93, %dma_start3A_94] : memref<2x128x128xf32, #tpu.memory_space<vmem>> -> memref<1x128x128xf32, #tpu.memory_space<vmem>>
        %dma_start3A_96 = tpu.memref_squeeze %dma_start3A_95 : memref<1x128x128xf32, #tpu.memory_space<vmem>> -> memref<128x128xf32, #tpu.memory_space<vmem>>
        %dma_start3A_97 = arith.constant 0 : i32
        %dma_start3A_98 = tpu.memref_slice %arg8[%add3A_90, %dma_start3A_97] : memref<40x128xi32, #tpu.memory_space<vmem>> -> memref<1x128xi32, #tpu.memory_space<vmem>>
        %dma_start3A_99 = tpu.memref_squeeze %dma_start3A_98 : memref<1x128xi32, #tpu.memory_space<vmem>> -> memref<128xi32, #tpu.memory_space<vmem>>
        %dma_start3A_100 = arith.constant 0 : i32
        %dma_start3A_101 = arith.constant 0 : i32
        %dma_start3A_102 = tpu.memref_slice %arg10[%dma_start3A_100, %dma_start3A_101] : memref<10112x128xf32, #tpu.memory_space<vmem_shared>> -> memref<10112x128xf32, #tpu.memory_space<vmem_shared>>
        tpu.enqueue_indirect_dma source(%dma_start3A_96 : memref<128x128xf32, #tpu.memory_space<vmem>>) target(%dma_start3A_102 : memref<10112x128xf32, #tpu.memory_space<vmem_shared>>) offsets(%dma_start3A_99 : memref<128xi32, #tpu.memory_space<vmem>>) semaphore(%run_scoped3A_92 : memref<!tpu.dma_semaphore, #tpu.memory_space<semaphore_mem>>) {add = true}
        %dma_wait3A_103 = arith.constant 0 : i32
        %dma_wait3A_104 = arith.constant 0 : i32
        %dma_wait3A_105 = tpu.memref_slice %arg9[%run_scoped3A_91, %dma_wait3A_103, %dma_wait3A_104] : memref<2x128x128xf32, #tpu.memory_space<vmem>> -> memref<1x128x128xf32, #tpu.memory_space<vmem>>
        %dma_wait3A_106 = tpu.memref_squeeze %dma_wait3A_105 : memref<1x128x128xf32, #tpu.memory_space<vmem>> -> memref<128x128xf32, #tpu.memory_space<vmem>>
        %dma_wait3A_107 = arith.constant 0 : i32
        %dma_wait3A_108 = tpu.memref_slice %arg8[%add3A_90, %dma_wait3A_107] : memref<40x128xi32, #tpu.memory_space<vmem>> -> memref<1x128xi32, #tpu.memory_space<vmem>>
        %dma_wait3A_109 = tpu.memref_squeeze %dma_wait3A_108 : memref<1x128xi32, #tpu.memory_space<vmem>> -> memref<128xi32, #tpu.memory_space<vmem>>
        %dma_wait3A_110 = arith.constant 0 : i32
        %dma_wait3A_111 = arith.constant 0 : i32
        %dma_wait3A_112 = tpu.memref_slice %arg10[%dma_wait3A_110, %dma_wait3A_111] : memref<10112x128xf32, #tpu.memory_space<vmem_shared>> -> memref<10112x128xf32, #tpu.memory_space<vmem_shared>>
        tpu.wait_indirect_dma semaphore(%run_scoped3A_92 : memref<!tpu.dma_semaphore, #tpu.memory_space<semaphore_mem>>) src(%dma_wait3A_106 : memref<128x128xf32, #tpu.memory_space<vmem>>) dst(%dma_wait3A_112 : memref<10112x128xf32, #tpu.memory_space<vmem_shared>>)
        tpu.yield
      }) : () -> ()
    }
    %scan3A_42 = arith.constant 20 : i32
    %barrier3A_43 = arith.constant 0 : index
    tpu.barrier barrier_id(%barrier3A_43)
    "tpu.region"() ({
      %run_scoped3A = tpu.sem_alloc : memref<!tpu.dma_semaphore, #tpu.memory_space<semaphore_mem>>
      %dma_start3A_44 = arith.constant 0 : i32
      %dma_start3A_45 = tpu.memref_slice %arg6[%arg0, %mul3A_2, %dma_start3A_44] : memref<2x10112x128xf32, #tpu.memory_space<hbm>> -> memref<1x632x128xf32, #tpu.memory_space<hbm>>
      %dma_start3A_46 = tpu.memref_squeeze %dma_start3A_45 : memref<1x632x128xf32, #tpu.memory_space<hbm>> -> memref<632x128xf32, #tpu.memory_space<hbm>>
      %dma_start3A_47 = arith.constant 0 : i32
      %dma_start3A_48 = tpu.memref_slice %arg10[%mul3A_2, %dma_start3A_47] : memref<10112x128xf32, #tpu.memory_space<vmem_shared>> -> memref<632x128xf32, #tpu.memory_space<vmem_shared>>
      tpu.enqueue_dma source(%dma_start3A_48 : memref<632x128xf32, #tpu.memory_space<vmem_shared>>) target(%dma_start3A_46 : memref<632x128xf32, #tpu.memory_space<hbm>>) target_semaphore(%run_scoped3A : memref<!tpu.dma_semaphore, #tpu.memory_space<semaphore_mem>>)
      %dma_wait3A = arith.constant 0 : i32
      %dma_wait3A_49 = tpu.memref_slice %arg6[%arg0, %mul3A_2, %dma_wait3A] : memref<2x10112x128xf32, #tpu.memory_space<hbm>> -> memref<1x632x128xf32, #tpu.memory_space<hbm>>
      %dma_wait3A_50 = tpu.memref_squeeze %dma_wait3A_49 : memref<1x632x128xf32, #tpu.memory_space<hbm>> -> memref<632x128xf32, #tpu.memory_space<hbm>>
      %dma_wait3A_51 = arith.constant 0 : i32
      %dma_wait3A_52 = tpu.memref_slice %arg10[%mul3A_2, %dma_wait3A_51] : memref<10112x128xf32, #tpu.memory_space<vmem_shared>> -> memref<632x128xf32, #tpu.memory_space<vmem_shared>>
      tpu.wait_dma2 semaphore(%run_scoped3A : memref<!tpu.dma_semaphore, #tpu.memory_space<semaphore_mem>>) src(%dma_wait3A_52 : memref<632x128xf32, #tpu.memory_space<vmem_shared>>) dst(%dma_wait3A_50 : memref<632x128xf32, #tpu.memory_space<hbm>>)
      tpu.yield
    }) : () -> ()
    return
  }
}

#map = affine_map<(d0, d1) -> (0, 0, 0)>
#map1 = affine_map<(d0, d1) -> (0)>
#map2 = affine_map<(d0, d1) -> (0, 0)>
module attributes {stable_mosaic.version = 14 : i64} {
  func.func @_sc_deg(%arg0: i32, %arg1: i32, %arg2: memref<32x80x128xi32, #tpu.memory_space<hbm>>, %arg3: memref<10112xf32, #tpu.memory_space<hbm>>, %arg4: memref<2x10112xf32, #tpu.memory_space<hbm>>, %arg5: memref<80x128xi32, #tpu.memory_space<vmem>>, %arg6: memref<128xf32, #tpu.memory_space<vmem>>, %arg7: memref<10112xf32, #tpu.memory_space<vmem_shared>>) attributes {dimension_semantics = [#tpu.dimension_semantics<core_parallel>, #tpu.dimension_semantics<subcore_parallel>], iteration_bounds = array<i64: 2, 16>, scalar_prefetch = 0 : i64, scratch_operands = 3 : i64, tpu.core_type = #tpu.core_type<sc_vector_subcore>, window_params = [{transform_indices = #map}, {transform_indices = #map1}, {transform_indices = #map2}]} {
    %mul3A = arith.constant 16 : i32
    %mul3A_0 = arith.muli %arg0, %mul3A : i32
    %add3A = arith.addi %mul3A_0, %arg1 : i32
    %scan3A = arith.constant 0 : i32
    %scan3A_1 = arith.constant 0 : i32
    %scan3A_2 = arith.constant 8 : i32
    %scan3A_3 = arith.addi %scan3A_1, %scan3A_2 : i32
    %scan3A_4 = arith.constant 1 : i32
    scf.for %scan3A_20 = %scan3A_1 to %scan3A_3 step %scan3A_4  : i32 {
      %broadcast_in_dim3A = arith.constant 1.000000e+00 : f32
      %broadcast_in_dim3A_21 = vector.broadcast %broadcast_in_dim3A : f32 to vector<16xf32>
      %mul3A_22 = arith.constant 16 : i32
      %mul3A_23 = arith.muli %scan3A_20, %mul3A_22 : i32
      %swap3A = arith.index_cast %mul3A_23 : i32 to index
      %swap3A_24 = tpu.vector_load %arg6[%swap3A] {strides = array<i32>} : memref<128xf32, #tpu.memory_space<vmem>>, vector<16xf32>,
      %swap3A_25 = vector.shape_cast %swap3A_24 : vector<16xf32> to vector<16xf32>
      %swap3A_26 = vector.shape_cast %broadcast_in_dim3A_21 : vector<16xf32> to vector<16xf32>
      tpu.vector_store %arg6[%swap3A], %swap3A_26 {strides = array<i32>} : memref<128xf32, #tpu.memory_space<vmem>>, vector<16xf32>,
    }
    %scan3A_5 = arith.constant 8 : i32
    %eq3A = arith.constant 0 : i32
    %eq3A_6 = arith.cmpi eq, %arg1, %eq3A : i32
    %convert_element_type3A = arith.extui %eq3A_6 : i1 to i32
    %cond3A = arith.constant 0 : i32
    %cond3A_7 = arith.cmpi ne, %convert_element_type3A, %cond3A : i32
    scf.if %cond3A_7 {
      "tpu.region"() ({
        %run_scoped3A = tpu.sem_alloc : memref<!tpu.dma_semaphore, #tpu.memory_space<semaphore_mem>>
        tpu.enqueue_dma source(%arg3 : memref<10112xf32, #tpu.memory_space<hbm>>) target(%arg7 : memref<10112xf32, #tpu.memory_space<vmem_shared>>) target_semaphore(%run_scoped3A : memref<!tpu.dma_semaphore, #tpu.memory_space<semaphore_mem>>)
        tpu.wait_dma2 semaphore(%run_scoped3A : memref<!tpu.dma_semaphore, #tpu.memory_space<semaphore_mem>>) src(%arg3 : memref<10112xf32, #tpu.memory_space<hbm>>) dst(%arg7 : memref<10112xf32, #tpu.memory_space<vmem_shared>>)
        tpu.yield
      }) : () -> ()
    } else {
    }
    "tpu.region"() ({
      %run_scoped3A = tpu.sem_alloc : memref<!tpu.dma_semaphore, #tpu.memory_space<semaphore_mem>>
      %dma_start3A = arith.constant 0 : i32
      %dma_start3A_20 = arith.constant 0 : i32
      %dma_start3A_21 = tpu.memref_slice %arg2[%add3A, %dma_start3A, %dma_start3A_20] : memref<32x80x128xi32, #tpu.memory_space<hbm>> -> memref<1x80x128xi32, #tpu.memory_space<hbm>>
      %dma_start3A_22 = tpu.memref_squeeze %dma_start3A_21 : memref<1x80x128xi32, #tpu.memory_space<hbm>> -> memref<80x128xi32, #tpu.memory_space<hbm>>
      %dma_start3A_23 = arith.constant 0 : i32
      %dma_start3A_24 = arith.constant 0 : i32
      %dma_start3A_25 = tpu.memref_slice %arg2[%add3A, %dma_start3A_23, %dma_start3A_24] : memref<32x80x128xi32, #tpu.memory_space<hbm>> -> memref<1x80x128xi32, #tpu.memory_space<hbm>>
      %dma_start3A_26 = tpu.memref_squeeze %dma_start3A_25 : memref<1x80x128xi32, #tpu.memory_space<hbm>> -> memref<80x128xi32, #tpu.memory_space<hbm>>
      tpu.enqueue_dma source(%dma_start3A_26 : memref<80x128xi32, #tpu.memory_space<hbm>>) target(%arg5 : memref<80x128xi32, #tpu.memory_space<vmem>>) target_semaphore(%run_scoped3A : memref<!tpu.dma_semaphore, #tpu.memory_space<semaphore_mem>>)
      %dma_wait3A = arith.constant 0 : i32
      %dma_wait3A_27 = arith.constant 0 : i32
      %dma_wait3A_28 = tpu.memref_slice %arg2[%add3A, %dma_wait3A, %dma_wait3A_27] : memref<32x80x128xi32, #tpu.memory_space<hbm>> -> memref<1x80x128xi32, #tpu.memory_space<hbm>>
      %dma_wait3A_29 = tpu.memref_squeeze %dma_wait3A_28 : memref<1x80x128xi32, #tpu.memory_space<hbm>> -> memref<80x128xi32, #tpu.memory_space<hbm>>
      %dma_wait3A_30 = arith.constant 0 : i32
      %dma_wait3A_31 = arith.constant 0 : i32
      %dma_wait3A_32 = tpu.memref_slice %arg2[%add3A, %dma_wait3A_30, %dma_wait3A_31] : memref<32x80x128xi32, #tpu.memory_space<hbm>> -> memref<1x80x128xi32, #tpu.memory_space<hbm>>
      %dma_wait3A_33 = tpu.memref_squeeze %dma_wait3A_32 : memref<1x80x128xi32, #tpu.memory_space<hbm>> -> memref<80x128xi32, #tpu.memory_space<hbm>>
      tpu.wait_dma2 semaphore(%run_scoped3A : memref<!tpu.dma_semaphore, #tpu.memory_space<semaphore_mem>>) src(%dma_wait3A_33 : memref<80x128xi32, #tpu.memory_space<hbm>>) dst(%arg5 : memref<80x128xi32, #tpu.memory_space<vmem>>)
      tpu.yield
    }) : () -> ()
    %barrier3A = arith.constant 0 : index
    tpu.barrier barrier_id(%barrier3A)
    %scan3A_8 = arith.constant 0 : i32
    %scan3A_9 = arith.constant 0 : i32
    %scan3A_10 = arith.constant 80 : i32
    %scan3A_11 = arith.addi %scan3A_9, %scan3A_10 : i32
    %scan3A_12 = arith.constant 1 : i32
    scf.for %scan3A_20 = %scan3A_9 to %scan3A_11 step %scan3A_12  : i32 {
      "tpu.region"() ({
        %run_scoped3A = tpu.sem_alloc : memref<!tpu.dma_semaphore, #tpu.memory_space<semaphore_mem>>
        %dma_start3A = arith.constant 0 : i32
        %dma_start3A_21 = tpu.memref_slice %arg5[%scan3A_20, %dma_start3A] : memref<80x128xi32, #tpu.memory_space<vmem>> -> memref<1x128xi32, #tpu.memory_space<vmem>>
        %dma_start3A_22 = tpu.memref_squeeze %dma_start3A_21 : memref<1x128xi32, #tpu.memory_space<vmem>> -> memref<128xi32, #tpu.memory_space<vmem>>
        %dma_start3A_23 = arith.constant 0 : i32
        %dma_start3A_24 = tpu.memref_slice %arg7[%dma_start3A_23] : memref<10112xf32, #tpu.memory_space<vmem_shared>> -> memref<10112xf32, #tpu.memory_space<vmem_shared>>
        tpu.enqueue_indirect_dma source(%arg6 : memref<128xf32, #tpu.memory_space<vmem>>) target(%dma_start3A_24 : memref<10112xf32, #tpu.memory_space<vmem_shared>>) offsets(%dma_start3A_22 : memref<128xi32, #tpu.memory_space<vmem>>) semaphore(%run_scoped3A : memref<!tpu.dma_semaphore, #tpu.memory_space<semaphore_mem>>) {add = true}
        %dma_wait3A = arith.constant 0 : i32
        %dma_wait3A_25 = tpu.memref_slice %arg5[%scan3A_20, %dma_wait3A] : memref<80x128xi32, #tpu.memory_space<vmem>> -> memref<1x128xi32, #tpu.memory_space<vmem>>
        %dma_wait3A_26 = tpu.memref_squeeze %dma_wait3A_25 : memref<1x128xi32, #tpu.memory_space<vmem>> -> memref<128xi32, #tpu.memory_space<vmem>>
        %dma_wait3A_27 = arith.constant 0 : i32
        %dma_wait3A_28 = tpu.memref_slice %arg7[%dma_wait3A_27] : memref<10112xf32, #tpu.memory_space<vmem_shared>> -> memref<10112xf32, #tpu.memory_space<vmem_shared>>
        tpu.wait_indirect_dma semaphore(%run_scoped3A : memref<!tpu.dma_semaphore, #tpu.memory_space<semaphore_mem>>) src(%arg6 : memref<128xf32, #tpu.memory_space<vmem>>) dst(%dma_wait3A_28 : memref<10112xf32, #tpu.memory_space<vmem_shared>>)
        tpu.yield
      }) : () -> ()
    }
    %scan3A_13 = arith.constant 80 : i32
    %barrier3A_14 = arith.constant 0 : index
    tpu.barrier barrier_id(%barrier3A_14)
    %eq3A_15 = arith.constant 0 : i32
    %eq3A_16 = arith.cmpi eq, %arg1, %eq3A_15 : i32
    %convert_element_type3A_17 = arith.extui %eq3A_16 : i1 to i32
    %cond3A_18 = arith.constant 0 : i32
    %cond3A_19 = arith.cmpi ne, %convert_element_type3A_17, %cond3A_18 : i32
    scf.if %cond3A_19 {
      "tpu.region"() ({
        %run_scoped3A = tpu.sem_alloc : memref<!tpu.dma_semaphore, #tpu.memory_space<semaphore_mem>>
        %dma_start3A = arith.constant 0 : i32
        %dma_start3A_20 = tpu.memref_slice %arg4[%arg0, %dma_start3A] : memref<2x10112xf32, #tpu.memory_space<hbm>> -> memref<1x10112xf32, #tpu.memory_space<hbm>>
        %dma_start3A_21 = tpu.memref_squeeze %dma_start3A_20 : memref<1x10112xf32, #tpu.memory_space<hbm>> -> memref<10112xf32, #tpu.memory_space<hbm>>
        tpu.enqueue_dma source(%arg7 : memref<10112xf32, #tpu.memory_space<vmem_shared>>) target(%dma_start3A_21 : memref<10112xf32, #tpu.memory_space<hbm>>) target_semaphore(%run_scoped3A : memref<!tpu.dma_semaphore, #tpu.memory_space<semaphore_mem>>)
        %dma_wait3A = arith.constant 0 : i32
        %dma_wait3A_22 = tpu.memref_slice %arg4[%arg0, %dma_wait3A] : memref<2x10112xf32, #tpu.memory_space<hbm>> -> memref<1x10112xf32, #tpu.memory_space<hbm>>
        %dma_wait3A_23 = tpu.memref_squeeze %dma_wait3A_22 : memref<1x10112xf32, #tpu.memory_space<hbm>> -> memref<10112xf32, #tpu.memory_space<hbm>>
        tpu.wait_dma2 semaphore(%run_scoped3A : memref<!tpu.dma_semaphore, #tpu.memory_space<semaphore_mem>>) src(%arg7 : memref<10112xf32, #tpu.memory_space<vmem_shared>>) dst(%dma_wait3A_23 : memref<10112xf32, #tpu.memory_space<hbm>>)
        tpu.yield
      }) : () -> ()
    } else {
    }
    return
  }
}

module attributes {stable_mosaic.version = 14 : i64} {
  func.func @_tc_mm_body(%arg0: memref<10000x128xf32, #tpu.memory_space<vmem>>, %arg1: memref<128x128xf32, #tpu.memory_space<vmem>>, %arg2: memref<10000x128xf32, #tpu.memory_space<vmem>>) attributes {dimension_semantics = [], scalar_prefetch = 0 : i64, scratch_operands = 0 : i64, tpu.core_type = #tpu.core_type<tc>} {
    %get3A = arith.constant 0 : index
    %get3A_0 = arith.constant 0 : index
    %get3A_1 = vector.load %arg0[%get3A, %get3A_0] : memref<10000x128xf32, #tpu.memory_space<vmem>>, vector<10000x128xf32>
    %get3A_2 = arith.constant 0 : index
    %get3A_3 = arith.constant 0 : index
    %get3A_4 = vector.load %arg1[%get3A_2, %get3A_3] : memref<128x128xf32, #tpu.memory_space<vmem>>, vector<128x128xf32>
    %dot_general3A = arith.constant dense<0.000000e+00> : vector<10000x128xf32>
    %dot_general3A_5 = tpu.matmul %get3A_1, %get3A_4, %dot_general3A {dimension_numbers = #tpu.dot_dimension_numbers<[1], [0], [0], [1], [0, 0, 1, 1], [], []>, transpose_lhs_hint = false} : vector<10000x128xf32>, vector<128x128xf32>, vector<10000x128xf32> -> vector<10000x128xf32>
    %swap3A = arith.constant 0 : index
    %swap3A_6 = arith.constant 0 : index
    %swap3A_7 = vector.load %arg2[%swap3A, %swap3A_6] : memref<10000x128xf32, #tpu.memory_space<vmem>>, vector<10000x128xf32>
    tpu.vector_store %arg2[%swap3A, %swap3A_6], %dot_general3A_5 {strides = array<i32>} : memref<10000x128xf32, #tpu.memory_space<vmem>>, vector<10000x128xf32>,
    return
  }
}

module attributes {stable_mosaic.version = 14 : i64} {
  func.func @_tc_prep_body(%arg0: memref<10000x128xf32, #tpu.memory_space<vmem>>, %arg1: memref<2x10112xf32, #tpu.memory_space<vmem>>, %arg2: memref<10112x128xf32, #tpu.memory_space<vmem>>, %arg3: memref<1x10112xf32, #tpu.memory_space<vmem>>) attributes {dimension_semantics = [], scalar_prefetch = 0 : i64, scratch_operands = 0 : i64, tpu.core_type = #tpu.core_type<tc>} {
    %get3A = arith.constant 0 : index
    %get3A_0 = arith.constant 0 : index
    %get3A_1 = vector.load %arg1[%get3A, %get3A_0] : memref<2x10112xf32, #tpu.memory_space<vmem>>, vector<1x10112xf32>
    %add3A = arith.constant 1.000000e+00 : f32
    %add3A_2 = vector.broadcast %add3A : f32 to vector<1x10112xf32>
    %add3A_3 = arith.addf %add3A_2, %get3A_1 : vector<1x10112xf32>
    %get3A_4 = arith.constant 1 : index
    %get3A_5 = arith.constant 0 : index
    %get3A_6 = vector.load %arg1[%get3A_4, %get3A_5] : memref<2x10112xf32, #tpu.memory_space<vmem>>, vector<1x10112xf32>
    %add3A_7 = arith.addf %add3A_3, %get3A_6 : vector<1x10112xf32>
    %rsqrt3A = math.rsqrt %add3A_7 : vector<1x10112xf32>
    %iota3A = tpu.iota {dimensions = array<i32: 1>} : vector<1x10112xi32>
    %lt3A = arith.constant 10000 : i32
    %lt3A_8 = vector.broadcast %lt3A : i32 to vector<1x10112xi32>
    %lt3A_9 = arith.cmpi slt, %iota3A, %lt3A_8 : vector<1x10112xi32>
    %jit3A = arith.constant 0.000000e+00 : f32
    %broadcast_in_dim3A = vector.broadcast %jit3A : f32 to vector<1x10112xf32>
    %select_n3A = arith.select %lt3A_9, %rsqrt3A, %broadcast_in_dim3A : vector<1x10112xi1>, vector<1x10112xf32>
    %swap3A = arith.constant 0 : index
    %swap3A_10 = arith.constant 0 : index
    %swap3A_11 = vector.load %arg3[%swap3A, %swap3A_10] : memref<1x10112xf32, #tpu.memory_space<vmem>>, vector<1x10112xf32>
    tpu.vector_store %arg3[%swap3A, %swap3A_10], %select_n3A {strides = array<i32>} : memref<1x10112xf32, #tpu.memory_space<vmem>>, vector<1x10112xf32>,
    %slice3A = vector.extract_strided_slice %select_n3A {offsets = [0, 0], sizes = [1, 10000], strides = [1, 1]} : vector<1x10112xf32> to vector<1x10000xf32>
    %squeeze3A = vector.shape_cast %slice3A : vector<1x10000xf32> to vector<10000xf32>
    %reshape3A = vector.shape_cast %squeeze3A : vector<10000xf32> to vector<10000x1xf32>
    %get3A_12 = arith.constant 0 : index
    %get3A_13 = arith.constant 0 : index
    %get3A_14 = vector.load %arg0[%get3A_12, %get3A_13] : memref<10000x128xf32, #tpu.memory_space<vmem>>, vector<10000x128xf32>
    %mul3A = vector.broadcast %reshape3A : vector<10000x1xf32> to vector<10000x128xf32>
    %mul3A_15 = arith.mulf %get3A_14, %mul3A : vector<10000x128xf32>
    %swap3A_16 = arith.constant 0 : index
    %swap3A_17 = arith.constant 0 : index
    %swap3A_18 = vector.load %arg2[%swap3A_16, %swap3A_17] : memref<10112x128xf32, #tpu.memory_space<vmem>>, vector<10000x128xf32>
    tpu.vector_store %arg2[%swap3A_16, %swap3A_17], %mul3A_15 {strides = array<i32>} : memref<10112x128xf32, #tpu.memory_space<vmem>>, vector<10000x128xf32>,
    %broadcast_in_dim3A_19 = arith.constant 0.000000e+00 : f32
    %broadcast_in_dim3A_20 = vector.broadcast %broadcast_in_dim3A_19 : f32 to vector<112x128xf32>
    %swap3A_21 = arith.constant 10000 : index
    %swap3A_22 = arith.constant 0 : index
    %swap3A_23 = vector.load %arg2[%swap3A_21, %swap3A_22] : memref<10112x128xf32, #tpu.memory_space<vmem>>, vector<112x128xf32>
    tpu.vector_store %arg2[%swap3A_21, %swap3A_22], %broadcast_in_dim3A_20 {strides = array<i32>} : memref<10112x128xf32, #tpu.memory_space<vmem>>, vector<112x128xf32>,
    return
  }
}

module attributes {stable_mosaic.version = 14 : i64} {
  func.func @_tc_mid_body(%arg0: memref<2x10112x128xf32, #tpu.memory_space<vmem>>, %arg1: memref<1x10112xf32, #tpu.memory_space<vmem>>, %arg2: memref<1x128xf32, #tpu.memory_space<vmem>>, %arg3: memref<128x128xf32, #tpu.memory_space<vmem>>, %arg4: memref<10112x128xf32, #tpu.memory_space<vmem>>) attributes {dimension_semantics = [], scalar_prefetch = 0 : i64, scratch_operands = 0 : i64, tpu.core_type = #tpu.core_type<tc>} {
    %get3A = arith.constant 0 : index
    %get3A_0 = arith.constant 0 : index
    %get3A_1 = arith.constant 0 : index
    %get3A_2 = vector.load %arg0[%get3A, %get3A_0, %get3A_1] : memref<2x10112x128xf32, #tpu.memory_space<vmem>>, vector<1x10000x128xf32>
    %get3A_3 = vector.shape_cast %get3A_2 : vector<1x10000x128xf32> to vector<10000x128xf32>
    %get3A_4 = arith.constant 1 : index
    %get3A_5 = arith.constant 0 : index
    %get3A_6 = arith.constant 0 : index
    %get3A_7 = vector.load %arg0[%get3A_4, %get3A_5, %get3A_6] : memref<2x10112x128xf32, #tpu.memory_space<vmem>>, vector<1x10000x128xf32>
    %get3A_8 = vector.shape_cast %get3A_7 : vector<1x10000x128xf32> to vector<10000x128xf32>
    %add3A = arith.addf %get3A_3, %get3A_8 : vector<10000x128xf32>
    %get3A_9 = arith.constant 0 : index
    %get3A_10 = arith.constant 0 : index
    %get3A_11 = vector.load %arg1[%get3A_9, %get3A_10] : memref<1x10112xf32, #tpu.memory_space<vmem>>, vector<1x10000xf32>
    %get3A_12 = vector.shape_cast %get3A_11 : vector<1x10000xf32> to vector<10000xf32>
    %reshape3A = vector.shape_cast %get3A_12 : vector<10000xf32> to vector<10000x1xf32>
    %mul3A = vector.broadcast %reshape3A : vector<10000x1xf32> to vector<10000x128xf32>
    %mul3A_13 = arith.mulf %mul3A, %add3A : vector<10000x128xf32>
    %get3A_14 = arith.constant 0 : index
    %get3A_15 = arith.constant 0 : index
    %get3A_16 = vector.load %arg2[%get3A_14, %get3A_15] : memref<1x128xf32, #tpu.memory_space<vmem>>, vector<1x128xf32>
    %get3A_17 = vector.shape_cast %get3A_16 : vector<1x128xf32> to vector<128xf32>
    %broadcast_in_dim3A = vector.shape_cast %get3A_17 : vector<128xf32> to vector<1x128xf32>
    %add3A_18 = vector.broadcast %broadcast_in_dim3A : vector<1x128xf32> to vector<10000x128xf32>
    %add3A_19 = arith.addf %mul3A_13, %add3A_18 : vector<10000x128xf32>
    %max3A = arith.constant 0.000000e+00 : f32
    %max3A_20 = vector.broadcast %max3A : f32 to vector<10000x128xf32>
    %max3A_21 = arith.maximumf %add3A_19, %max3A_20 : vector<10000x128xf32>
    %get3A_22 = arith.constant 0 : index
    %get3A_23 = arith.constant 0 : index
    %get3A_24 = vector.load %arg3[%get3A_22, %get3A_23] : memref<128x128xf32, #tpu.memory_space<vmem>>, vector<128x128xf32>
    %dot_general3A = arith.constant dense<0.000000e+00> : vector<10000x128xf32>
    %dot_general3A_25 = tpu.matmul %max3A_21, %get3A_24, %dot_general3A {dimension_numbers = #tpu.dot_dimension_numbers<[1], [0], [0], [1], [0, 0, 1, 1], [], []>, transpose_lhs_hint = false} : vector<10000x128xf32>, vector<128x128xf32>, vector<10000x128xf32> -> vector<10000x128xf32>
    %mul3A_26 = vector.broadcast %reshape3A : vector<10000x1xf32> to vector<10000x128xf32>
    %mul3A_27 = arith.mulf %dot_general3A_25, %mul3A_26 : vector<10000x128xf32>
    %swap3A = arith.constant 0 : index
    %swap3A_28 = arith.constant 0 : index
    %swap3A_29 = vector.load %arg4[%swap3A, %swap3A_28] : memref<10112x128xf32, #tpu.memory_space<vmem>>, vector<10000x128xf32>
    tpu.vector_store %arg4[%swap3A, %swap3A_28], %mul3A_27 {strides = array<i32>} : memref<10112x128xf32, #tpu.memory_space<vmem>>, vector<10000x128xf32>,
    %broadcast_in_dim3A_30 = arith.constant 0.000000e+00 : f32
    %broadcast_in_dim3A_31 = vector.broadcast %broadcast_in_dim3A_30 : f32 to vector<112x128xf32>
    %swap3A_32 = arith.constant 10000 : index
    %swap3A_33 = arith.constant 0 : index
    %swap3A_34 = vector.load %arg4[%swap3A_32, %swap3A_33] : memref<10112x128xf32, #tpu.memory_space<vmem>>, vector<112x128xf32>
    tpu.vector_store %arg4[%swap3A_32, %swap3A_33], %broadcast_in_dim3A_31 {strides = array<i32>} : memref<10112x128xf32, #tpu.memory_space<vmem>>, vector<112x128xf32>,
    return
  }
}

module attributes {stable_mosaic.version = 14 : i64} {
  func.func @_tc_final_body(%arg0: memref<2x10112x128xf32, #tpu.memory_space<vmem>>, %arg1: memref<1x10112xf32, #tpu.memory_space<vmem>>, %arg2: memref<1x10000xi32, #tpu.memory_space<vmem>>, %arg3: memref<1x128xf32, #tpu.memory_space<vmem>>, %arg4: memref<128x1xf32, #tpu.memory_space<vmem>>, %arg5: memref<1x1xf32, #tpu.memory_space<vmem>>, %arg6: memref<64x1xf32, #tpu.memory_space<vmem>>) attributes {dimension_semantics = [], scalar_prefetch = 0 : i64, scratch_operands = 0 : i64, tpu.core_type = #tpu.core_type<tc>} {
    %get3A = arith.constant 0 : index
    %get3A_0 = arith.constant 0 : index
    %get3A_1 = arith.constant 0 : index
    %get3A_2 = vector.load %arg0[%get3A, %get3A_0, %get3A_1] : memref<2x10112x128xf32, #tpu.memory_space<vmem>>, vector<1x10000x128xf32>
    %get3A_3 = vector.shape_cast %get3A_2 : vector<1x10000x128xf32> to vector<10000x128xf32>
    %get3A_4 = arith.constant 1 : index
    %get3A_5 = arith.constant 0 : index
    %get3A_6 = arith.constant 0 : index
    %get3A_7 = vector.load %arg0[%get3A_4, %get3A_5, %get3A_6] : memref<2x10112x128xf32, #tpu.memory_space<vmem>>, vector<1x10000x128xf32>
    %get3A_8 = vector.shape_cast %get3A_7 : vector<1x10000x128xf32> to vector<10000x128xf32>
    %add3A = arith.addf %get3A_3, %get3A_8 : vector<10000x128xf32>
    %get3A_9 = arith.constant 0 : index
    %get3A_10 = arith.constant 0 : index
    %get3A_11 = vector.load %arg1[%get3A_9, %get3A_10] : memref<1x10112xf32, #tpu.memory_space<vmem>>, vector<1x10000xf32>
    %get3A_12 = vector.shape_cast %get3A_11 : vector<1x10000xf32> to vector<10000xf32>
    %reshape3A = vector.shape_cast %get3A_12 : vector<10000xf32> to vector<10000x1xf32>
    %mul3A = vector.broadcast %reshape3A : vector<10000x1xf32> to vector<10000x128xf32>
    %mul3A_13 = arith.mulf %mul3A, %add3A : vector<10000x128xf32>
    %get3A_14 = arith.constant 0 : index
    %get3A_15 = arith.constant 0 : index
    %get3A_16 = vector.load %arg3[%get3A_14, %get3A_15] : memref<1x128xf32, #tpu.memory_space<vmem>>, vector<1x128xf32>
    %get3A_17 = vector.shape_cast %get3A_16 : vector<1x128xf32> to vector<128xf32>
    %broadcast_in_dim3A = vector.shape_cast %get3A_17 : vector<128xf32> to vector<1x128xf32>
    %add3A_18 = vector.broadcast %broadcast_in_dim3A : vector<1x128xf32> to vector<10000x128xf32>
    %add3A_19 = arith.addf %mul3A_13, %add3A_18 : vector<10000x128xf32>
    %get3A_20 = arith.constant 0 : index
    %get3A_21 = arith.constant 0 : index
    %get3A_22 = vector.load %arg2[%get3A_20, %get3A_21] : memref<1x10000xi32, #tpu.memory_space<vmem>>, vector<1x10000xi32>
    %get3A_23 = vector.shape_cast %get3A_22 : vector<1x10000xi32> to vector<10000xi32>
    %iota3A = tpu.iota {dimensions = array<i32: 0>} : vector<64x10000xi32>
    %broadcast_in_dim3A_24 = vector.shape_cast %get3A_23 : vector<10000xi32> to vector<1x10000xi32>
    %eq3A = vector.broadcast %broadcast_in_dim3A_24 : vector<1x10000xi32> to vector<64x10000xi32>
    %eq3A_25 = arith.cmpi eq, %iota3A, %eq3A : vector<64x10000xi32>
    %convert_element_type3A = arith.extui %eq3A_25 : vector<64x10000xi1> to vector<64x10000xi32>
    %convert_element_type3A_26 = arith.sitofp %convert_element_type3A : vector<64x10000xi32> to vector<64x10000xf32>
    %dot_general3A = arith.constant dense<0.000000e+00> : vector<64x128xf32>
    %dot_general3A_27 = tpu.matmul %convert_element_type3A_26, %add3A_19, %dot_general3A {dimension_numbers = #tpu.dot_dimension_numbers<[1], [0], [0], [1], [0, 0, 1, 1], [], []>, precision = #tpu.contract_precision<fp32>, transpose_lhs_hint = false} : vector<64x10000xf32>, vector<10000x128xf32>, vector<64x128xf32> -> vector<64x128xf32>
    %reduce_sum3A = arith.constant dense<0.000000e+00> : vector<64xf32>
    %reduce_sum3A_28 = vector.multi_reduction <add>, %convert_element_type3A_26, %reduce_sum3A [1] : vector<64x10000xf32> to vector<64xf32>
    %max3A = arith.constant 1.000000e+00 : f32
    %max3A_29 = vector.broadcast %max3A : f32 to vector<64xf32>
    %max3A_30 = arith.maximumf %reduce_sum3A_28, %max3A_29 : vector<64xf32>
    %broadcast_in_dim3A_31 = vector.shape_cast %max3A_30 : vector<64xf32> to vector<64x1xf32>
    %div3A = vector.broadcast %broadcast_in_dim3A_31 : vector<64x1xf32> to vector<64x128xf32>
    %div3A_32 = arith.divf %dot_general3A_27, %div3A : vector<64x128xf32>
    %get3A_33 = arith.constant 0 : index
    %get3A_34 = arith.constant 0 : index
    %get3A_35 = vector.load %arg4[%get3A_33, %get3A_34] : memref<128x1xf32, #tpu.memory_space<vmem>>, vector<128x1xf32>
    %dot_general3A_36 = arith.constant dense<0.000000e+00> : vector<64x1xf32>
    %dot_general3A_37 = tpu.matmul %div3A_32, %get3A_35, %dot_general3A_36 {dimension_numbers = #tpu.dot_dimension_numbers<[1], [0], [0], [1], [0, 0, 1, 1], [], []>, transpose_lhs_hint = false} : vector<64x128xf32>, vector<128x1xf32>, vector<64x1xf32> -> vector<64x1xf32>
    %get3A_38 = arith.constant 0 : index
    %get3A_39 = arith.constant 0 : index
    %get3A_40 = vector.load %arg5[%get3A_38, %get3A_39] : memref<1x1xf32, #tpu.memory_space<vmem>>, vector<1x1xf32>
    %get3A_41 = vector.extract %get3A_40[0, 0] : f32 from vector<1x1xf32>
    %add3A_42 = vector.broadcast %get3A_41 : f32 to vector<64x1xf32>
    %add3A_43 = arith.addf %dot_general3A_37, %add3A_42 : vector<64x1xf32>
    %swap3A = arith.constant 0 : index
    %swap3A_44 = arith.constant 0 : index
    %swap3A_45 = vector.load %arg6[%swap3A, %swap3A_44] : memref<64x1xf32, #tpu.memory_space<vmem>>, vector<64x1xf32>
    tpu.vector_store %arg6[%swap3A, %swap3A_44], %add3A_43 {strides = array<i32>} : memref<64x1xf32, #tpu.memory_space<vmem>>, vector<64x1xf32>,
    return
  }
}

</mosaic_0001>

<sc_bundles>
// kernel: kernel.12.cloned.1.call-start
scs
__scs_entry_jumppad:
0x0: {  	(pc) =	sbr.rel $0x88, $3  }
0x1: {  	(tag) =	ssettag $0x0;
	lr =	simm.s32 $0x1  }
0x2: {  	[smem:$0x3F98] =	sst lr;
	_ =	strace $0xD0000000  }
0x3: {  	_ = 	snop  }
0x4: {  	_ = 	snop  }
0x5: {  	_ = 	snop  }
0x6: {  	_ = 	snop  }
0x7: {  	_ = 	snop  }
__scs_overlays_trampoline_lowered:
0x8: {  	[smem:$0x3FA7] =	sst s0  }
0x9: {  	[smem:$0x3FA8] =	sst s1  }
0xa: {  	[smem:$0x3FA9] =	sst s2  }
0xb: {  	[smem:$0x3FAA] =	sst s3  }
0xc: {  	[smem:$0x3FAB] =	sst s4  }
0xd: {  	[smem:$0x3FAC] =	sst s5  }
0xe: {  	[smem:$0x3FAD] =	sst s6  }
0xf: {  	[smem:$0x3FAE] =	sst s7  }
0x10: {  	[smem:$0x3FAF] =	sst s8  }
0x11: {  	[smem:$0x3FB0] =	sst s9;
	s0 =	simm.s32 @!p0 $0x0  }
0x12: {  	s1 =	sld [smem:$0x3F96];
	s0 =	simm.s32 @p0 $0x1  }
0x13: {  	[smem:$0x3FB1] =	sst s0;
	s0 =	simm.s32 @!p1 $0x0  }
0x14: {  	s2 =	sld [smem:$0x3F95];
	s0 =	simm.s32 @p1 $0x1  }
0x15: {  	[smem:$0x3FB2] =	sst s0;
	s0 =	simm.s32 @!p2 $0x0  }
0x16: {  	s3 =	sld [smem:$0x3FDB];
	s0 =	simm.s32 @p2 $0x1  }
0x17: {  	s4 =	simm.s32 $0x1BF5;
	[smem:$0x3FB4] =	sst s0  }
0x18: {  	s0 =	sld [smem:$0x3F97];
	_ =	swait.ge [sflag:s4], $0x0  }
0x19: {  	s7 =	sld [smem:$0x3F98]  }
0x1a: {  	s8 =	sadd.s32 $0xFFFFE003, lr  }
0x1b: {  	s9 =	sadd.s32 $0xFFFFFEF7, lr;
	s5 =	simm.s32 $0xFFFFFFFF;
	p2 =	slt.u32 s8, $0xFFFFF086  }
0x1c: {  	p1 =	slt.u32 s9, $0xF7A;
	s5 =	simm.s32 @!p2 $0x0  }
0x1d: {  	s5 =	simm.s32 @p1 $0x1;
	p0 =	seq.s32 s7, s2  }
0x1e: {  	s7 =	smul.u32 @!p0 $0xF7A, s2;
	p2 =	seq.s32 @!p0 s5, $0x0  }
0x1f: {  	s9 =	smul.u32 $0xF7A, s1;
	s8 =	simm.s32 @!p0 $0x1BF5;
	p2 =	por !p2, p0  }
0x20: {  	[sflag:s8] =	ssyncset.s32 @!p0 $0xFFFFF086;
	s6 =	sadd.s32 @!p0 s3, s7;
	s7 =	simm.s32 @!p0 $0x108  }
0x21: {  	s3 =	sadd.s32 s3, s9;
	s6 =	sadd.s32 @!p0 $0x88, s6;
	s7 =	simm.s32 @p2 $0x1082  }
0x22: {  	[simem:s7], [sflag:s8] =	dma.local @!p0 [hbm:s6], $0xF7A  }
0x23: {  	s9 =	sor.u32 $0xD0000000, s2;
	s6 =	simm.s32 $0x108;
	_ =	swait.ge @!p0 [sflag:s8], $0x0  }
0x24: {  	s3 =	sadd.s32 $0x88, s3;
	s6 =	simm.s32 @!p1 $0x1082;
	[sflag:s4] =	ssyncset.s32 $0xFFFFF086  }
0x25: {  	[simem:s6], [sflag:s4] =	dma.local [hbm:s3], $0xF7A  }
0x26: {  	[smem:$0x3F98] =	sst s1;
	(tag) =	ssettag s2;
	_ =	strace s9  }
0x27: {  	s1 =	sld [smem:$0x3FA8]  }
0x28: {  	s2 =	sld [smem:$0x3FA9]  }
0x29: {  	s4 =	sld [smem:$0x3FAB]  }
0x2a: {  	p0 =	seq.s32 s5, $0x0;
	s5 =	sld [smem:$0x3FAC]  }
0x2b: {  	s6 =	sld [smem:$0x3FAD]  }
0x2c: {  	s7 =	sld [smem:$0x3FAE]  }
0x2d: {  	s3 =	simm.s32 $0x108;
	s8 =	sld [smem:$0x3FAF]  }
0x2e: {  	s3 =	simm.s32 @!p0 $0x1082;
	s9 =	sld [smem:$0x3FB0]  }
0x2f: {  	lr =	sadd.s32 s0, s3;
	s0 =	sld [smem:$0x3FA7]  }
0x30: {  	s3 =	sld [smem:$0x3FAA]  }
0x31: {  	[smem:$0x3FB3] =	sst s10  }
0x32: {  	s10 =	sld [smem:$0x3FB1];
	_ =	sdelay $0x3  }
0x33: {  	p0 =	seq.s32 s10, $0x1;
	s10 =	sld [smem:$0x3FB3];
	_ =	sdelay $0x3  }
0x34: {  	[smem:$0x3FB3] =	sst s10  }
0x35: {  	s10 =	sld [smem:$0x3FB2];
	_ =	sdelay $0x3  }
0x36: {  	p1 =	seq.s32 s10, $0x1;
	s10 =	sld [smem:$0x3FB3];
	_ =	sdelay $0x3  }
0x37: {  	[smem:$0x3FB3] =	sst s10  }
0x38: {  	s10 =	sld [smem:$0x3FB4]  }
0x39: {  	_ = 	snop;
	(pc) =	sbr.ind lr, $3  }
0x3a: {  	_ = 	snop  }
0x3b: {  	_ = 	snop  }
0x3c: {  	p2 =	seq.s32 s10, $0x1;
	s10 =	sld [smem:$0x3FB3]  }
0x3d: {  	_ =	shalt  }
0x3e: {  	_ =	shalt  }
0x3f: {  	_ =	shalt  }
0x40: {  	_ =	shalt  }
0x41: {  	_ =	shalt  }
0x42: {  	_ =	shalt  }
0x43: {  	_ =	shalt  }
0x44: {  	_ =	shalt  }
0x45: {  	_ =	shalt  }
0x46: {  	_ =	shalt  }
0x47: {  	_ =	shalt  }
0x48: {  	_ =	shalt  }
0x49: {  	_ =	shalt  }
0x4a: {  	_ =	shalt  }
0x4b: {  	_ =	shalt  }
0x4c: {  	_ =	shalt  }
0x4d: {  	_ =	shalt  }
0x4e: {  	_ =	shalt  }
0x4f: {  	_ =	shalt  }
0x50: {  	_ =	shalt  }
0x51: {  	_ =	shalt  }
0x52: {  	_ =	shalt  }
0x53: {  	_ =	shalt  }
0x54: {  	_ =	shalt  }
0x55: {  	_ =	shalt  }
0x56: {  	_ =	shalt  }
0x57: {  	_ =	shalt  }
0x58: {  	_ =	shalt  }
0x59: {  	_ =	shalt  }
0x5a: {  	_ =	shalt  }
0x5b: {  	_ =	shalt  }
0x5c: {  	_ =	shalt  }
0x5d: {  	_ =	shalt  }
0x5e: {  	_ =	shalt  }
0x5f: {  	_ =	shalt  }
0x60: {  	_ =	shalt  }
0x61: {  	_ =	shalt  }
0x62: {  	_ =	shalt  }
0x63: {  	_ =	shalt  }
0x64: {  	_ =	shalt  }
0x65: {  	_ =	shalt  }
0x66: {  	_ =	shalt  }
0x67: {  	_ =	shalt  }
0x68: {  	_ =	shalt  }
0x69: {  	_ =	shalt  }
0x6a: {  	_ =	shalt  }
0x6b: {  	_ =	shalt  }
0x6c: {  	_ =	shalt  }
0x6d: {  	_ =	shalt  }
0x6e: {  	_ =	shalt  }
0x6f: {  	_ =	shalt  }
0x70: {  	_ =	shalt  }
0x71: {  	_ =	shalt  }
0x72: {  	_ =	shalt  }
0x73: {  	_ =	shalt  }
0x74: {  	_ =	shalt  }
0x75: {  	_ =	shalt  }
0x76: {  	_ =	shalt  }
0x77: {  	_ =	shalt  }
0x78: {  	_ =	shalt  }
0x79: {  	_ =	shalt  }
0x7a: {  	_ =	shalt  }
0x7b: {  	_ =	shalt  }
0x7c: {  	_ =	shalt  }
0x7d: {  	_ =	shalt  }
0x7e: {  	_ =	shalt  }
0x7f: {  	_ =	shalt  }
0x80: {  	_ =	shalt  }
0x81: {  	_ =	shalt  }
0x82: {  	_ =	shalt  }
0x83: {  	_ =	shalt  }
0x84: {  	_ =	shalt  }
0x85: {  	_ =	shalt  }
0x86: {  	_ =	shalt  }
0x87: {  	_ =	shalt  }
.Lfunc_end0:
.L_simem_size_0:
called_computation.1_lowered:
.L_overlay_start_0:
0x88: {  	s2 =	sld [smem:$0x3FD9]  }
0x89: {  	s3 =	sld [smem:$0x3FFE];
	_ =	sdelay $0x1  }
0x8a: {  	s1 =	srdreg.scid  }
0x8b: {  	s0 =	sand.u32 $0x1, s1  }
0x8c: {  	s16 =	sshll.u32 s0, $0xA;
	s2 =	sadd.s32 s3, s2  }
0x8d: {  	s2 =	sadd.s32 s2, s16  }
0x8e: {  	[smem:$0x3FBF] =	sst s2  }
0x8f: {  	_ = 	snop  }
0x90: {  	(tm) =	ssettm $0x1  }
0x91: {  	s17 =	sld [smem:$0x3FFB];
	_ =	sdelay $0x3  }
0x92: {  	_ =	strace s17  }
0x93: {  	s2 =	sld [smem:$0x3FFC];
	_ =	sdelay $0x3  }
0x94: {  	_ =	strace s2  }
0x95: {  	s2 =	sld [smem:$0x3FFD];
	_ =	sdelay $0x3  }
0x96: {  	_ =	strace s2  }
0x97: {  	_ =	strace $0x8FFFFFFF  }
0x98: {  	s18 =	sld [smem:$0x3FDB];
	_ =	sdelay $0x1  }
0x99: {  	s19 =	simm.s32 $_scs_section_size  }
0x9a: {  	s4 =	simm.s32 $_size__tile_overlayer_lowered;
	s5 =	simm.s32 $_tile_overlayer_lowered  }
0x9b: {  	s22 =	simm.s32 $0x1BFF;
	s21 =	sshll.u32 s5, $0x1;
	s2 =	sadd.s32 s19, s18  }
0x9c: {  	s6 =	simm.s32 $0x0;
	s20 =	sshll.u32 s4, $0x1;
	s4 =	sadd.s32 s21, s2  }
0x9d: {  	[timem:s6], [sflag:s22] =	dma.local [hbm:s4], s20  }
0x9e: {  	_ =	swait.ge [sflag:s22], s20  }
0x9f: {  	s3 =	ssub.s32 $0x0, s20;
	[sflag:s22] =	ssyncset.done $0x0  }
0xa0: {  	[sflag:s22] =	ssyncadd.s32 s3;
	_ =	sdelay $0x1  }
0xa1: {  	s23 =	simm.s32 $0x1B8B  }
0xa2: {  	_ =	swait.ge [sflag:s23], $0x1  }
0xa3: {  	[sflag:s23] =	ssyncset.done $0x0  }
0xa4: {  	s25 =	simm.s32 $0x1B8E;
	s24 =	sld [smem:$0x3FFE];
	[sflag:s23] =	ssyncadd.s32 $0xFFFFFFFF  }
0xa5: {  	s26 =	simm.s32 $execute0_lowered;
	[smem:$0x3FD2] =	sst s25  }
0xa6: {  	s4 =	sshll.u32 s26, $0x1;
	_ =	strace $0x80000049;
	[dreg:$0x1] =	wrdreg $0xFFFFFFFF  }
0xa7: {  	s28 =	simm.s32 $_size_execute0_lowered;
	s2 =	sadd.s32 s2, s4;
	[dreg:$0x0] =	wrdreg $0x0  }
0xa8: {  	s4 =	sshll.u32 s28, $0x1;
	[dreg:$0x2] =	wrdreg s2  }
0xa9: {  	[dreg:$0x3] =	wrdreg s4  }
0xaa: {  	[dreg:$0x4] =	wrdreg $0xC0  }
0xab: {  	_ =	task [dreg:s6], $0x5FFFF  }
0xac: {  	[dreg:$0x1] =	wrdreg $0xFFFFFFFF  }
0xad: {  	[dreg:$0x0] =	wrdreg $0x60  }
0xae: {  	[dreg:$0x2] =	wrdreg s24  }
0xaf: {  	[dreg:$0x3] =	wrdreg $0xA8000  }
0xb0: {  	[dreg:$0x4] =	wrdreg $0x9  }
0xb1: {  	_ =	task.clear_ibuf [dreg:s6], $0x5FFFF;
	_ =	strace $0x90000049  }
0xb2: {  	s29 =	simm.s32 $0x9;
	_ =	strace $0x8000004B  }
0xb3: {  	_ =	swait.ge [sflag:s29], $0x1  }
0xb4: {  	[sflag:s29] =	ssyncadd.s32 $0xFFFFFFFF  }
0xb5: {  	_ =	strace $0x9000004B  }
0xb6: {  	_ =	sfence  }
0xb7: {  	s30 =	sld [smem:$0x0];
	_ =	sdelay $0x2  }
0xb8: {  	s31 =	sshll.u32 s1, $0xD;
	s1 =	sshrl.u32 s1, $0x2  }
0xb9: {  	s3 =	sand.u32 $0x4000, s31;
	s1 =	sadd.s32 s1, s30  }
0xba: {  	s0 =	sor.u32 s3, s0;
	s1 =	sshll.u32 s1, $0x11  }
0xbb: {  	s0 =	sor.u32 s1, s0  }
0xbc: {  	s0 =	sadd.s32 $0x8F2B, s0  }
0xbd: {  	[sflag:s0] =	ssyncadd.remote.s32 $0x1  }
0xbe: {  	_ =	sfence.sel $0xFFFF  }
0xbf: {  	[dreg:$0x0] =	wrdreg $0xFFFFFFFF;
	(pc) =	sbr.abs _section_cstart, $3  }
0xc0: {  	[dreg:$0x1] =	wrdreg $0xFFFFFFFF  }
0xc1: {  	_ =	task.clear_ibuf [dreg:s6], $0x2FFFF;
	_ =	strace $0x9FFFFFFF  }
0xc2: {  	(tm) =	ssettm $0x7FFFFFFF  }
0xc3: {  	_ =	shalt  }
tec
execute0_lowered:
.L_overlay_start_1:
0x0: {  	(tag) =	ssettag $0x1  }
0x1: {  	s5 =	rddreg [dreg:$0x0]  }
0x2: {  	s1 =	rddreg [dreg:$0x1]  }
0x3: {  	s0 =	rddreg [dreg:$0x2];
	s3 =	simm.s32 $0x0;
	s2 =	srdreg.scid  }
0x4: {  	s16 =	simm.s32 $0x80;
	s17 =	simm.s32 $0x2800;
	s18 =	simm.s32 $0x1  }
0x5: {  	s19 =	simm.s32 $0x6800;
	s20 =	simm.s32 $0x2;
	s21 =	simm.s32 $0x1380  }
0x6: {  	s22 =	simm.s32 $0x2700;
	s23 =	simm.s32 $0x2780;
	s24 =	simm.s32 $0x0  }
0x7: {  	[smem:$0x7FF] =	sst s3;
	s6 =	sand.u32 $0x1, s2;
	s2 =	stileid.u32  }
0x8: {  	s4 =	sadd.s32 $0x16600, s5;
	s9 =	sadd.s32 $0xC600, s5;
	s7 =	smul.u32 $0x13C000, s6  }
0x9: {  	s10 =	sadd.s32 $0x2600, s5;
	s11 =	sadd.s32 $0x3DE00, s5;
	s8 =	smul.u32 $0x13C00, s2  }
0xa: {  	_ =	strace $0x8000004A;
	s26 =	sshll.u32 s6, $0x4;
	s13 =	smul.u32 $0x4F000, s2  }
0xb: {  	s12 =	ssub.s32 $0x2, s6;
	p0 =	seq.s32 s6, $0x0;
	s30 =	smul.u32 $0x2780, s2  }
0xc: {  	s31 =	sshll.u32 s2, $0x6;
	s14 =	sshrl.u32 s12, $0x1;
	s11 =	smov.u32 @p0 s4  }
0xd: {  	s7 =	sadd.s32 s8, s7;
	s8 =	sor.u32 s2, s26;
	s12 =	ssub.s32 s12, s14  }
0xe: {  	s28 =	sshrl.u32 s13, $0x2;
	s11 =	sadd.s32 s11, s30;
	s8 =	smul.u32 $0x2800, s8  }
0xf: {  	s14 =	simm.s32 $0x3;
	s7 =	sshrl.u32 s7, $0x3;
	s13 =	sadd.s32 s28, s1  }
0x10: {  	s15 =	sadd.s32 s7, s5;
	s13 =	sshrl.u32 s13, $0x3;
	s29 =	sshrl.u32 s8, $0x3  }
0x11: {  	s5 =	sadd.s32 s9, s29;
	s8 =	sadd.s32 $0x280, s29;
	s6 =	sadd.s32 s10, s29  }
0x12: {  	s7 =	sadd.s32 s9, s8;
	s8 =	sadd.s32 s10, s8;
	s9 =	sadd.s32 $0x65600, s15  }
0x13: {  	s10 =	smax.u32 s12, $0x1;
	s12 =	sor.u32 $0x1C03, s31;
	s15 =	simm.s32 $0x1400  }
.LBB2_1:
0x14: {  	[spmem:s13], [sflag:s12] =	dma.local [hbm:s11], $0x2780  }
0x15: {  	_ =	swait.ge [sflag:s14], $0x2780  }
0x16: {  	[sflag:s14] =	ssyncset.done $0x0  }
0x17: {  	[sflag:s14] =	ssyncadd.s32 $0xFFFFD880  }
0x18: {  	[bflag:$0x0] =	sbarrier.arrive $0xFFFF  }
0x19: {  	[tilespmem:s3], [sflag:$0x3] =	stream.linear.gather [hbm4b:s5+s3], $0x1400, $0x38;
	[tilespmem:$0x1E400] =	vst v63  }
0x1a: {  	_ =	swait.ge [sflag:s14], $0x1400  }
0x1b: {  	[sflag:s14] =	ssyncset.done $0x0  }
0x1c: {  	[sflag:s14] =	ssyncadd.s32 $0xFFFFEC00  }
0x1d: {  	[tilespmem:s15], [sflag:$0x3] =	stream.linear.gather [hbm4b:s6+s3], $0x1400, $0x38;
	[tilespmem:$0x1E400] =	vst v63  }
0x1e: {  	_ =	swait.ge [sflag:s14], $0x1400  }
0x1f: {  	[sflag:s14] =	ssyncset.done $0x0  }
0x20: {  	[sflag:s14] =	ssyncadd.s32 $0xFFFFEC00  }
0x21: {  	[tilespmem:s17], [sflag:$0x1] =	stream.indirect.gather [hbm4b:s4+s16], $0x80, s3, s16, $0xb8;
	[tilespmem:$0x1E400] =	vst v63  }
0x22: {  	_ =	swait.ge [sflag:s18], $0x4000  }
0x23: {  	[sflag:s18] =	ssyncset.done $0x0  }
0x24: {  	s25 =	simm.s32 $0x80;
	[sflag:s18] =	ssyncadd.s32 $0xFFFFC000  }
0x25: {  	[tilespmem:s19], [sflag:$0x2] =	stream.indirect.gather [hbm4b:s4+s16], $0x80, s25, s16, $0xb8;
	[tilespmem:$0x1E400] =	vst v63  }
0x26: {  	s29 =	simm.s32 $0x1400  }
0x27: {  	[spmem:s1] =	stream.indirect.scatter.add.f32 [tilespmem:s17], [sflag:$0x3], $0x80, s29, s16, $0xb8;
	[tilespmem:$0x1E400] =	vst v63  }
0x28: {  	_ =	swait.ge [sflag:s14], $0x4000  }
0x29: {  	[sflag:s14] =	ssyncset.done $0x0  }
0x2a: {  	s30 =	simm.s32 $0x100;
	[sflag:s14] =	ssyncadd.s32 $0xFFFFC000  }
0x2b: {  	[tilespmem:s17], [sflag:$0x1] =	stream.indirect.gather [hbm4b:s4+s16], $0x80, s30, s16, $0xb8;
	[tilespmem:$0x1E400] =	vst v63  }
0x2c: {  	_ =	swait.ge [sflag:s20], $0x4000  }
0x2d: {  	[sflag:s20] =	ssyncset.done $0x0  }
0x2e: {  	s31 =	simm.s32 $0x1480;
	[sflag:s20] =	ssyncadd.s32 $0xFFFFC000  }
0x2f: {  	[spmem:s1] =	stream.indirect.scatter.add.f32 [tilespmem:s19], [sflag:$0x3], $0x80, s31, s16, $0xb8;
	[tilespmem:$0x1E400] =	vst v63  }
0x30: {  	_ =	swait.ge [sflag:s14], $0x4000  }
0x31: {  	s25 =	simm.s32 $0x400;
	[sflag:s14] =	ssyncset.done $0x0  }
.LBB2_2:
0x32: {  	p0 =	sne.s32 s25, $0x4800  }
0x33: {  	[sflag:s14] =	ssyncadd.s32 $0xFFFFC000;
	s26 =	smov.u32 s25;
	s25 =	sadd.s32 $0x400, s25  }
0x34: {  	_ =	swait.ge [sflag:s18], $0x4000  }
0x35: {  	s26 =	sshra.s32 s26, $0x2;
	[sflag:s18] =	ssyncset.done $0x0  }
0x36: {  	s28 =	sadd.s32 $0x80, s26;
	[sflag:s18] =	ssyncadd.s32 $0xFFFFC000  }
0x37: {  	[tilespmem:s19], [sflag:$0x2] =	stream.indirect.gather [hbm4b:s4+s16], $0x80, s28, s16, $0xb8;
	[tilespmem:$0x1E400] =	vst v63  }
0x38: {  	s28 =	sadd.s32 $0x1400, s26  }
0x39: {  	[spmem:s1] =	stream.indirect.scatter.add.f32 [tilespmem:s17], [sflag:$0x3], $0x80, s28, s16, $0xb8;
	[tilespmem:$0x1E400] =	vst v63  }
0x3a: {  	_ =	swait.ge [sflag:s14], $0x4000  }
0x3b: {  	[sflag:s14] =	ssyncset.done $0x0  }
0x3c: {  	s28 =	sadd.s32 $0x100, s26;
	[sflag:s14] =	ssyncadd.s32 $0xFFFFC000  }
0x3d: {  	[tilespmem:s17], [sflag:$0x1] =	stream.indirect.gather [hbm4b:s4+s16], $0x80, s28, s16, $0xb8;
	[tilespmem:$0x1E400] =	vst v63  }
0x3e: {  	_ =	swait.ge [sflag:s20], $0x4000  }
.Ltmp0:
0x3f: {  	[sflag:s20] =	ssyncset.done $0x0;
	(pc) =	sbr.rel @p0 .LBB2_2-.Ltmp0, $4  }
0x40: {  	s26 =	sadd.s32 $0x1480, s26;
	[sflag:s20] =	ssyncadd.s32 $0xFFFFC000  }
0x41: {  	[spmem:s1] =	stream.indirect.scatter.add.f32 [tilespmem:s19], [sflag:$0x3], $0x80, s26, s16, $0xb8;
	[tilespmem:$0x1E400] =	vst v63  }
0x42: {  	_ =	swait.ge [sflag:s14], $0x4000  }
0x43: {  	[sflag:s14] =	ssyncset.done $0x0  }
0x44: {  	[sflag:s14] =	ssyncadd.s32 $0xFFFFC000  }
0x45: {  	_ =	swait.ge [sflag:s18], $0x4000  }
0x46: {  	[sflag:s18] =	ssyncset.done $0x0  }
0x47: {  	[sflag:s18] =	ssyncadd.s32 $0xFFFFC000  }
0x48: {  	[tilespmem:s19], [sflag:$0x2] =	stream.indirect.gather [hbm4b:s4+s16], $0x80, s21, s16, $0xb8;
	[tilespmem:$0x1E400] =	vst v63  }
0x49: {  	_ = 	snop  }
0x4a: {  	[spmem:s1] =	stream.indirect.scatter.add.f32 [tilespmem:s17], [sflag:$0x3], $0x80, s22, s16, $0xb8;
	[tilespmem:$0x1E400] =	vst v63  }
0x4b: {  	_ =	swait.ge [sflag:s14], $0x4000  }
0x4c: {  	[sflag:s14] =	ssyncset.done $0x0  }
0x4d: {  	[sflag:s14] =	ssyncadd.s32 $0xFFFFC000  }
0x4e: {  	_ =	swait.ge [sflag:s20], $0x4000  }
0x4f: {  	[sflag:s20] =	ssyncset.done $0x0  }
0x50: {  	[sflag:s20] =	ssyncadd.s32 $0xFFFFC000  }
0x51: {  	[spmem:s1] =	stream.indirect.scatter.add.f32 [tilespmem:s19], [sflag:$0x3], $0x80, s23, s16, $0xb8;
	[tilespmem:$0x1E400] =	vst v63  }
0x52: {  	_ =	swait.ge [sflag:s14], $0x4000  }
0x53: {  	[sflag:s14] =	ssyncset.done $0x0  }
0x54: {  	s25 =	simm.s32 $0x0;
	[sflag:s14] =	ssyncadd.s32 $0xFFFFC000  }
0x55: {  	[tilespmem:s25], [sflag:$0x3] =	stream.linear.gather [hbm4b:s7+s25], $0x1400, $0x38;
	[tilespmem:$0x1E400] =	vst v63  }
0x56: {  	_ =	swait.ge [sflag:s14], $0x1400  }
0x57: {  	[sflag:s14] =	ssyncset.done $0x0  }
0x58: {  	[sflag:s14] =	ssyncadd.s32 $0xFFFFEC00  }
0x59: {  	[tilespmem:s15], [sflag:$0x3] =	stream.linear.gather [hbm4b:s8+s25], $0x1400, $0x38;
	[tilespmem:$0x1E400] =	vst v63  }
0x5a: {  	_ =	swait.ge [sflag:s14], $0x1400  }
0x5b: {  	[sflag:s14] =	ssyncset.done $0x0  }
0x5c: {  	[sflag:s14] =	ssyncadd.s32 $0xFFFFEC00  }
0x5d: {  	[tilespmem:s17], [sflag:$0x1] =	stream.indirect.gather [hbm4b:s4+s16], $0x80, s25, s16, $0xb8;
	[tilespmem:$0x1E400] =	vst v63  }
0x5e: {  	_ =	swait.ge [sflag:s18], $0x4000  }
0x5f: {  	[sflag:s18] =	ssyncset.done $0x0  }
0x60: {  	s28 =	simm.s32 $0x80;
	[sflag:s18] =	ssyncadd.s32 $0xFFFFC000  }
0x61: {  	[tilespmem:s19], [sflag:$0x2] =	stream.indirect.gather [hbm4b:s4+s16], $0x80, s28, s16, $0xb8;
	[tilespmem:$0x1E400] =	vst v63  }
0x62: {  	s29 =	simm.s32 $0x1400  }
0x63: {  	[spmem:s1] =	stream.indirect.scatter.add.f32 [tilespmem:s17], [sflag:$0x3], $0x80, s29, s16, $0xb8;
	[tilespmem:$0x1E400] =	vst v63  }
0x64: {  	_ =	swait.ge [sflag:s14], $0x4000  }
0x65: {  	[sflag:s14] =	ssyncset.done $0x0  }
0x66: {  	s30 =	simm.s32 $0x100;
	[sflag:s14] =	ssyncadd.s32 $0xFFFFC000  }
0x67: {  	[tilespmem:s17], [sflag:$0x1] =	stream.indirect.gather [hbm4b:s4+s16], $0x80, s30, s16, $0xb8;
	[tilespmem:$0x1E400] =	vst v63  }
0x68: {  	_ =	swait.ge [sflag:s20], $0x4000  }
0x69: {  	[sflag:s20] =	ssyncset.done $0x0  }
0x6a: {  	s31 =	simm.s32 $0x1480;
	[sflag:s20] =	ssyncadd.s32 $0xFFFFC000  }
0x6b: {  	[spmem:s1] =	stream.indirect.scatter.add.f32 [tilespmem:s19], [sflag:$0x3], $0x80, s31, s16, $0xb8;
	[tilespmem:$0x1E400] =	vst v63  }
0x6c: {  	_ =	swait.ge [sflag:s14], $0x4000  }
0x6d: {  	s25 =	simm.s32 $0x400;
	[sflag:s14] =	ssyncset.done $0x0  }
.LBB2_4:
0x6e: {  	p0 =	sne.s32 s25, $0x4800  }
0x6f: {  	[sflag:s14] =	ssyncadd.s32 $0xFFFFC000;
	s26 =	smov.u32 s25;
	s25 =	sadd.s32 $0x400, s25  }
0x70: {  	_ =	swait.ge [sflag:s18], $0x4000  }
0x71: {  	s26 =	sshra.s32 s26, $0x2;
	[sflag:s18] =	ssyncset.done $0x0  }
0x72: {  	s28 =	sadd.s32 $0x80, s26;
	[sflag:s18] =	ssyncadd.s32 $0xFFFFC000  }
0x73: {  	[tilespmem:s19], [sflag:$0x2] =	stream.indirect.gather [hbm4b:s4+s16], $0x80, s28, s16, $0xb8;
	[tilespmem:$0x1E400] =	vst v63  }
0x74: {  	s28 =	sadd.s32 $0x1400, s26  }
0x75: {  	[spmem:s1] =	stream.indirect.scatter.add.f32 [tilespmem:s17], [sflag:$0x3], $0x80, s28, s16, $0xb8;
	[tilespmem:$0x1E400] =	vst v63  }
0x76: {  	_ =	swait.ge [sflag:s14], $0x4000  }
0x77: {  	[sflag:s14] =	ssyncset.done $0x0  }
0x78: {  	s28 =	sadd.s32 $0x100, s26;
	[sflag:s14] =	ssyncadd.s32 $0xFFFFC000  }
0x79: {  	[tilespmem:s17], [sflag:$0x1] =	stream.indirect.gather [hbm4b:s4+s16], $0x80, s28, s16, $0xb8;
	[tilespmem:$0x1E400] =	vst v63  }
0x7a: {  	_ =	swait.ge [sflag:s20], $0x4000  }
.Ltmp1:
0x7b: {  	[sflag:s20] =	ssyncset.done $0x0;
	(pc) =	sbr.rel @p0 .LBB2_4-.Ltmp1, $4  }
0x7c: {  	s26 =	sadd.s32 $0x1480, s26;
	[sflag:s20] =	ssyncadd.s32 $0xFFFFC000  }
0x7d: {  	[spmem:s1] =	stream.indirect.scatter.add.f32 [tilespmem:s19], [sflag:$0x3], $0x80, s26, s16, $0xb8;
	[tilespmem:$0x1E400] =	vst v63  }
0x7e: {  	_ =	swait.ge [sflag:s14], $0x4000  }
0x7f: {  	[sflag:s14] =	ssyncset.done $0x0  }
0x80: {  	[sflag:s14] =	ssyncadd.s32 $0xFFFFC000  }
0x81: {  	_ =	swait.ge [sflag:s18], $0x4000  }
0x82: {  	[sflag:s18] =	ssyncset.done $0x0  }
0x83: {  	[sflag:s18] =	ssyncadd.s32 $0xFFFFC000  }
0x84: {  	[tilespmem:s19], [sflag:$0x2] =	stream.indirect.gather [hbm4b:s4+s16], $0x80, s21, s16, $0xb8;
	[tilespmem:$0x1E400] =	vst v63  }
0x85: {  	_ = 	snop  }
0x86: {  	[spmem:s1] =	stream.indirect.scatter.add.f32 [tilespmem:s17], [sflag:$0x3], $0x80, s22, s16, $0xb8;
	[tilespmem:$0x1E400] =	vst v63  }
0x87: {  	_ =	swait.ge [sflag:s14], $0x4000  }
0x88: {  	[sflag:s14] =	ssyncset.done $0x0  }
0x89: {  	[sflag:s14] =	ssyncadd.s32 $0xFFFFC000  }
0x8a: {  	_ =	swait.ge [sflag:s20], $0x4000  }
0x8b: {  	[sflag:s20] =	ssyncset.done $0x0  }
0x8c: {  	[sflag:s20] =	ssyncadd.s32 $0xFFFFC000  }
0x8d: {  	[spmem:s1] =	stream.indirect.scatter.add.f32 [tilespmem:s19], [sflag:$0x3], $0x80, s23, s16, $0xb8;
	[tilespmem:$0x1E400] =	vst v63  }
0x8e: {  	_ =	swait.ge [sflag:s14], $0x4000  }
0x8f: {  	s24 =	sadd.s32 $0x1, s24;
	[sflag:s14] =	ssyncset.done $0x0  }
0x90: {  	p0 =	sne.s32 s24, s10;
	[sflag:s14] =	ssyncadd.s32 $0xFFFFC000  }
.Ltmp2:
0x91: {  	[bflag:$0x0] =	sbarrier.arrive $0xFFFF;
	(pc) =	sbr.rel @p0 .LBB2_1-.Ltmp2, $4  }
0x92: {  	[hbm:s9], [sflag:s12] =	dma.local [spmem:s13], $0x2780  }
0x93: {  	_ =	swait.ge [sflag:s14], $0x2780  }
0x94: {  	[sflag:s14] =	ssyncset.done $0x0  }
0x95: {  	[sflag:s14] =	ssyncadd.s32 $0xFFFFD880  }
0x96: {  	_ =	sfence.sel $0x180000  }
0x97: {  	[bflag:$0x0] =	sbarrier.arrive $0xFFFF  }
0x98: {  	p0 =	sne.s32 s2, $0x0;
	_ =	strace $0x9000004A  }
0x99: {  	s0 =	sadd.s32 @!p0 $0x100000, s0;
	[bflag:$0x2] =	sbarrier.arrive $0xFFFF  }
0x9a: {  	[sflag:s0] =	ssyncadd.tile.s32 @!p0 $0x1;
	_ =	shalt  }
.Lfunc_end2:
_tile_overlayer_lowered:
.L_overlay_start_2:
0x9b: {  	(tag) =	ssettag $0x2  }
0x9c: {  	s0 =	rddreg [dreg:$0x0];
	s2 =	stileid.u32  }
0x9d: {  	s1 =	rddreg [dreg:$0x1];
	p0 =	sne.s32 s2, $0x0  }
0x9e: {  	s3 =	rddreg [dreg:$0x2];
	[bflag:$0x3] =	sbarrier.arrive $0xFFFF;
	s2 =	simm.s32 @!p0 $0x1C03  }
0x9f: {  	[timem:s3], [sflag:s2] =	dma.local @!p0 [hbm:s0], s1  }
0xa0: {  	s0 =	simm.s32 @!p0 $0x3  }
0xa1: {  	_ =	swait.ge @!p0 [sflag:s0], s1  }
0xa2: {  	s1 =	ssub.s32 @!p0 $0x0, s1;
	[sflag:s0] =	ssyncset.done @!p0 $0x0  }
0xa3: {  	[sflag:s0] =	ssyncadd.s32 @!p0 s1  }
0xa4: {  	[bflag:$0x3] =	sbarrier.arrive $0xFFFF  }
0xa5: {  	_ =	shalt  }

// kernel: kernel.15.cloned.1.call-start
scs
__scs_entry_jumppad:
0x0: {  	(pc) =	sbr.rel $0x88, $3  }
0x1: {  	(tag) =	ssettag $0x0;
	lr =	simm.s32 $0x1  }
0x2: {  	[smem:$0x3F98] =	sst lr;
	_ =	strace $0xD0000000  }
0x3: {  	_ = 	snop  }
0x4: {  	_ = 	snop  }
0x5: {  	_ = 	snop  }
0x6: {  	_ = 	snop  }
0x7: {  	_ = 	snop  }
__scs_overlays_trampoline_lowered:
0x8: {  	[smem:$0x3FA7] =	sst s0  }
0x9: {  	[smem:$0x3FA8] =	sst s1  }
0xa: {  	[smem:$0x3FA9] =	sst s2  }
0xb: {  	[smem:$0x3FAA] =	sst s3  }
0xc: {  	[smem:$0x3FAB] =	sst s4  }
0xd: {  	[smem:$0x3FAC] =	sst s5  }
0xe: {  	[smem:$0x3FAD] =	sst s6  }
0xf: {  	[smem:$0x3FAE] =	sst s7  }
0x10: {  	[smem:$0x3FAF] =	sst s8  }
0x11: {  	[smem:$0x3FB0] =	sst s9;
	s0 =	simm.s32 @!p0 $0x0  }
0x12: {  	s1 =	sld [smem:$0x3F96];
	s0 =	simm.s32 @p0 $0x1  }
0x13: {  	[smem:$0x3FB1] =	sst s0;
	s0 =	simm.s32 @!p1 $0x0  }
0x14: {  	s2 =	sld [smem:$0x3F95];
	s0 =	simm.s32 @p1 $0x1  }
0x15: {  	[smem:$0x3FB2] =	sst s0;
	s0 =	simm.s32 @!p2 $0x0  }
0x16: {  	s3 =	sld [smem:$0x3FDB];
	s0 =	simm.s32 @p2 $0x1  }
0x17: {  	s4 =	simm.s32 $0x1BF5;
	[smem:$0x3FB4] =	sst s0  }
0x18: {  	s0 =	sld [smem:$0x3F97];
	_ =	swait.ge [sflag:s4], $0x0  }
0x19: {  	s7 =	sld [smem:$0x3F98]  }
0x1a: {  	s8 =	sadd.s32 $0xFFFFE003, lr  }
0x1b: {  	s9 =	sadd.s32 $0xFFFFFEF7, lr;
	s5 =	simm.s32 $0xFFFFFFFF;
	p2 =	slt.u32 s8, $0xFFFFF086  }
0x1c: {  	p1 =	slt.u32 s9, $0xF7A;
	s5 =	simm.s32 @!p2 $0x0  }
0x1d: {  	s5 =	simm.s32 @p1 $0x1;
	p0 =	seq.s32 s7, s2  }
0x1e: {  	s7 =	smul.u32 @!p0 $0xF7A, s2;
	p2 =	seq.s32 @!p0 s5, $0x0  }
0x1f: {  	s9 =	smul.u32 $0xF7A, s1;
	s8 =	simm.s32 @!p0 $0x1BF5;
	p2 =	por !p2, p0  }
0x20: {  	[sflag:s8] =	ssyncset.s32 @!p0 $0xFFFFF086;
	s6 =	sadd.s32 @!p0 s3, s7;
	s7 =	simm.s32 @!p0 $0x108  }
0x21: {  	s3 =	sadd.s32 s3, s9;
	s6 =	sadd.s32 @!p0 $0x88, s6;
	s7 =	simm.s32 @p2 $0x1082  }
0x22: {  	[simem:s7], [sflag:s8] =	dma.local @!p0 [hbm:s6], $0xF7A  }
0x23: {  	s9 =	sor.u32 $0xD0000000, s2;
	s6 =	simm.s32 $0x108;
	_ =	swait.ge @!p0 [sflag:s8], $0x0  }
0x24: {  	s3 =	sadd.s32 $0x88, s3;
	s6 =	simm.s32 @!p1 $0x1082;
	[sflag:s4] =	ssyncset.s32 $0xFFFFF086  }
0x25: {  	[simem:s6], [sflag:s4] =	dma.local [hbm:s3], $0xF7A  }
0x26: {  	[smem:$0x3F98] =	sst s1;
	(tag) =	ssettag s2;
	_ =	strace s9  }
0x27: {  	s1 =	sld [smem:$0x3FA8]  }
0x28: {  	s2 =	sld [smem:$0x3FA9]  }
0x29: {  	s4 =	sld [smem:$0x3FAB]  }
0x2a: {  	p0 =	seq.s32 s5, $0x0;
	s5 =	sld [smem:$0x3FAC]  }
0x2b: {  	s6 =	sld [smem:$0x3FAD]  }
0x2c: {  	s7 =	sld [smem:$0x3FAE]  }
0x2d: {  	s3 =	simm.s32 $0x108;
	s8 =	sld [smem:$0x3FAF]  }
0x2e: {  	s3 =	simm.s32 @!p0 $0x1082;
	s9 =	sld [smem:$0x3FB0]  }
0x2f: {  	lr =	sadd.s32 s0, s3;
	s0 =	sld [smem:$0x3FA7]  }
0x30: {  	s3 =	sld [smem:$0x3FAA]  }
0x31: {  	[smem:$0x3FB3] =	sst s10  }
0x32: {  	s10 =	sld [smem:$0x3FB1];
	_ =	sdelay $0x3  }
0x33: {  	p0 =	seq.s32 s10, $0x1;
	s10 =	sld [smem:$0x3FB3];
	_ =	sdelay $0x3  }
0x34: {  	[smem:$0x3FB3] =	sst s10  }
0x35: {  	s10 =	sld [smem:$0x3FB2];
	_ =	sdelay $0x3  }
0x36: {  	p1 =	seq.s32 s10, $0x1;
	s10 =	sld [smem:$0x3FB3];
	_ =	sdelay $0x3  }
0x37: {  	[smem:$0x3FB3] =	sst s10  }
0x38: {  	s10 =	sld [smem:$0x3FB4]  }
0x39: {  	_ = 	snop;
	(pc) =	sbr.ind lr, $3  }
0x3a: {  	_ = 	snop  }
0x3b: {  	_ = 	snop  }
0x3c: {  	p2 =	seq.s32 s10, $0x1;
	s10 =	sld [smem:$0x3FB3]  }
0x3d: {  	_ =	shalt  }
0x3e: {  	_ =	shalt  }
0x3f: {  	_ =	shalt  }
0x40: {  	_ =	shalt  }
0x41: {  	_ =	shalt  }
0x42: {  	_ =	shalt  }
0x43: {  	_ =	shalt  }
0x44: {  	_ =	shalt  }
0x45: {  	_ =	shalt  }
0x46: {  	_ =	shalt  }
0x47: {  	_ =	shalt  }
0x48: {  	_ =	shalt  }
0x49: {  	_ =	shalt  }
0x4a: {  	_ =	shalt  }
0x4b: {  	_ =	shalt  }
0x4c: {  	_ =	shalt  }
0x4d: {  	_ =	shalt  }
0x4e: {  	_ =	shalt  }
0x4f: {  	_ =	shalt  }
0x50: {  	_ =	shalt  }
0x51: {  	_ =	shalt  }
0x52: {  	_ =	shalt  }
0x53: {  	_ =	shalt  }
0x54: {  	_ =	shalt  }
0x55: {  	_ =	shalt  }
0x56: {  	_ =	shalt  }
0x57: {  	_ =	shalt  }
0x58: {  	_ =	shalt  }
0x59: {  	_ =	shalt  }
0x5a: {  	_ =	shalt  }
0x5b: {  	_ =	shalt  }
0x5c: {  	_ =	shalt  }
0x5d: {  	_ =	shalt  }
0x5e: {  	_ =	shalt  }
0x5f: {  	_ =	shalt  }
0x60: {  	_ =	shalt  }
0x61: {  	_ =	shalt  }
0x62: {  	_ =	shalt  }
0x63: {  	_ =	shalt  }
0x64: {  	_ =	shalt  }
0x65: {  	_ =	shalt  }
0x66: {  	_ =	shalt  }
0x67: {  	_ =	shalt  }
0x68: {  	_ =	shalt  }
0x69: {  	_ =	shalt  }
0x6a: {  	_ =	shalt  }
0x6b: {  	_ =	shalt  }
0x6c: {  	_ =	shalt  }
0x6d: {  	_ =	shalt  }
0x6e: {  	_ =	shalt  }
0x6f: {  	_ =	shalt  }
0x70: {  	_ =	shalt  }
0x71: {  	_ =	shalt  }
0x72: {  	_ =	shalt  }
0x73: {  	_ =	shalt  }
0x74: {  	_ =	shalt  }
0x75: {  	_ =	shalt  }
0x76: {  	_ =	shalt  }
0x77: {  	_ =	shalt  }
0x78: {  	_ =	shalt  }
0x79: {  	_ =	shalt  }
0x7a: {  	_ =	shalt  }
0x7b: {  	_ =	shalt  }
0x7c: {  	_ =	shalt  }
0x7d: {  	_ =	shalt  }
0x7e: {  	_ =	shalt  }
0x7f: {  	_ =	shalt  }
0x80: {  	_ =	shalt  }
0x81: {  	_ =	shalt  }
0x82: {  	_ =	shalt  }
0x83: {  	_ =	shalt  }
0x84: {  	_ =	shalt  }
0x85: {  	_ =	shalt  }
0x86: {  	_ =	shalt  }
0x87: {  	_ =	shalt  }
.Lfunc_end0:
.L_simem_size_0:
called_computation.2_lowered:
.L_overlay_start_0:
0x88: {  	s2 =	sld [smem:$0x3FD9]  }
0x89: {  	s3 =	sld [smem:$0x3FFE];
	_ =	sdelay $0x1  }
0x8a: {  	s1 =	srdreg.scid  }
0x8b: {  	s0 =	sand.u32 $0x1, s1  }
0x8c: {  	s16 =	sshll.u32 s0, $0xA;
	s2 =	sadd.s32 s3, s2  }
0x8d: {  	s2 =	sadd.s32 s2, s16  }
0x8e: {  	[smem:$0x3FBF] =	sst s2  }
0x8f: {  	_ = 	snop  }
0x90: {  	(tm) =	ssettm $0x1  }
0x91: {  	s17 =	sld [smem:$0x3FFB];
	_ =	sdelay $0x3  }
0x92: {  	_ =	strace s17  }
0x93: {  	s2 =	sld [smem:$0x3FFC];
	_ =	sdelay $0x3  }
0x94: {  	_ =	strace s2  }
0x95: {  	s2 =	sld [smem:$0x3FFD];
	_ =	sdelay $0x3  }
0x96: {  	_ =	strace s2  }
0x97: {  	_ =	strace $0x8FFFFFFF  }
0x98: {  	s18 =	sld [smem:$0x3FDB];
	_ =	sdelay $0x1  }
0x99: {  	s19 =	simm.s32 $_scs_section_size  }
0x9a: {  	s4 =	simm.s32 $_size__tile_overlayer_lowered;
	s5 =	simm.s32 $_tile_overlayer_lowered  }
0x9b: {  	s22 =	simm.s32 $0x1BFF;
	s21 =	sshll.u32 s5, $0x1;
	s2 =	sadd.s32 s19, s18  }
0x9c: {  	s6 =	simm.s32 $0x0;
	s20 =	sshll.u32 s4, $0x1;
	s4 =	sadd.s32 s21, s2  }
0x9d: {  	[timem:s6], [sflag:s22] =	dma.local [hbm:s4], s20  }
0x9e: {  	_ =	swait.ge [sflag:s22], s20  }
0x9f: {  	s3 =	ssub.s32 $0x0, s20;
	[sflag:s22] =	ssyncset.done $0x0  }
0xa0: {  	[sflag:s22] =	ssyncadd.s32 s3;
	_ =	sdelay $0x1  }
0xa1: {  	s23 =	simm.s32 $0x1B8B  }
0xa2: {  	_ =	swait.ge [sflag:s23], $0x1  }
0xa3: {  	[sflag:s23] =	ssyncset.done $0x0  }
0xa4: {  	s25 =	simm.s32 $0x1B8E;
	s24 =	sld [smem:$0x3FFE];
	[sflag:s23] =	ssyncadd.s32 $0xFFFFFFFF  }
0xa5: {  	s26 =	simm.s32 $execute0_lowered;
	[smem:$0x3FD2] =	sst s25  }
0xa6: {  	s4 =	sshll.u32 s26, $0x1;
	_ =	strace $0x8000004C;
	[dreg:$0x1] =	wrdreg $0xFFFFFFFF  }
0xa7: {  	s28 =	simm.s32 $_size_execute0_lowered;
	s2 =	sadd.s32 s2, s4;
	[dreg:$0x0] =	wrdreg $0x0  }
0xa8: {  	s4 =	sshll.u32 s28, $0x1;
	[dreg:$0x2] =	wrdreg s2  }
0xa9: {  	[dreg:$0x3] =	wrdreg s4  }
0xaa: {  	[dreg:$0x4] =	wrdreg $0xC0  }
0xab: {  	_ =	task [dreg:s6], $0x5FFFF  }
0xac: {  	[dreg:$0x1] =	wrdreg $0xFFFFFFFF  }
0xad: {  	[dreg:$0x0] =	wrdreg $0x60  }
0xae: {  	[dreg:$0x2] =	wrdreg s24  }
0xaf: {  	[dreg:$0x3] =	wrdreg $0xA8000  }
0xb0: {  	[dreg:$0x4] =	wrdreg $0x9  }
0xb1: {  	_ =	task.clear_ibuf [dreg:s6], $0x5FFFF;
	_ =	strace $0x9000004C  }
0xb2: {  	s29 =	simm.s32 $0x9;
	_ =	strace $0x8000004E  }
0xb3: {  	_ =	swait.ge [sflag:s29], $0x1  }
0xb4: {  	[sflag:s29] =	ssyncadd.s32 $0xFFFFFFFF  }
0xb5: {  	_ =	strace $0x9000004E  }
0xb6: {  	_ =	sfence  }
0xb7: {  	s30 =	sld [smem:$0x0];
	_ =	sdelay $0x2  }
0xb8: {  	s31 =	sshll.u32 s1, $0xD;
	s1 =	sshrl.u32 s1, $0x2  }
0xb9: {  	s3 =	sand.u32 $0x4000, s31;
	s1 =	sadd.s32 s1, s30  }
0xba: {  	s0 =	sor.u32 s3, s0;
	s1 =	sshll.u32 s1, $0x11  }
0xbb: {  	s0 =	sor.u32 s1, s0  }
0xbc: {  	s0 =	sadd.s32 $0x8F2B, s0  }
0xbd: {  	[sflag:s0] =	ssyncadd.remote.s32 $0x1  }
0xbe: {  	_ =	sfence.sel $0xFFFF  }
0xbf: {  	[dreg:$0x0] =	wrdreg $0xFFFFFFFF;
	(pc) =	sbr.abs _section_cstart, $3  }
0xc0: {  	[dreg:$0x1] =	wrdreg $0xFFFFFFFF  }
0xc1: {  	_ =	task.clear_ibuf [dreg:s6], $0x2FFFF;
	_ =	strace $0x9FFFFFFF  }
0xc2: {  	(tm) =	ssettm $0x7FFFFFFF  }
0xc3: {  	_ =	shalt  }
tec
execute0_lowered:
.L_overlay_start_1:
0x0: {  	(tag) =	ssettag $0x1  }
0x1: {  	s5 =	rddreg [dreg:$0x0]  }
0x2: {  	s1 =	rddreg [dreg:$0x1]  }
0x3: {  	s0 =	rddreg [dreg:$0x2];
	s3 =	simm.s32 $0x0;
	s2 =	srdreg.scid  }
0x4: {  	s16 =	simm.s32 $0x80;
	s17 =	simm.s32 $0x2800;
	s18 =	simm.s32 $0x1  }
0x5: {  	s19 =	simm.s32 $0x6800;
	s20 =	simm.s32 $0x2;
	s21 =	simm.s32 $0x1380  }
0x6: {  	s22 =	simm.s32 $0x2700;
	s23 =	simm.s32 $0x2780;
	s24 =	simm.s32 $0x0  }
0x7: {  	[smem:$0x7FF] =	sst s3;
	s6 =	sand.u32 $0x1, s2;
	s2 =	stileid.u32  }
0x8: {  	s4 =	sadd.s32 $0x16600, s5;
	s9 =	sadd.s32 $0xC600, s5;
	s7 =	smul.u32 $0x13C000, s6  }
0x9: {  	s10 =	sadd.s32 $0x2600, s5;
	s11 =	sadd.s32 $0x3DE00, s5;
	s8 =	smul.u32 $0x13C00, s2  }
0xa: {  	_ =	strace $0x8000004D;
	s26 =	sshll.u32 s6, $0x4;
	s13 =	smul.u32 $0x4F000, s2  }
0xb: {  	s12 =	ssub.s32 $0x2, s6;
	p0 =	seq.s32 s6, $0x0;
	s30 =	smul.u32 $0x2780, s2  }
0xc: {  	s31 =	sshll.u32 s2, $0x6;
	s14 =	sshrl.u32 s12, $0x1;
	s11 =	smov.u32 @p0 s4  }
0xd: {  	s7 =	sadd.s32 s8, s7;
	s8 =	sor.u32 s2, s26;
	s12 =	ssub.s32 s12, s14  }
0xe: {  	s28 =	sshrl.u32 s13, $0x2;
	s11 =	sadd.s32 s11, s30;
	s8 =	smul.u32 $0x2800, s8  }
0xf: {  	s14 =	simm.s32 $0x3;
	s7 =	sshrl.u32 s7, $0x3;
	s13 =	sadd.s32 s28, s1  }
0x10: {  	s15 =	sadd.s32 s7, s5;
	s13 =	sshrl.u32 s13, $0x3;
	s29 =	sshrl.u32 s8, $0x3  }
0x11: {  	s5 =	sadd.s32 s9, s29;
	s8 =	sadd.s32 $0x280, s29;
	s6 =	sadd.s32 s10, s29  }
0x12: {  	s7 =	sadd.s32 s9, s8;
	s8 =	sadd.s32 s10, s8;
	s9 =	sadd.s32 $0x65600, s15  }
0x13: {  	s10 =	smax.u32 s12, $0x1;
	s12 =	sor.u32 $0x1C03, s31;
	s15 =	simm.s32 $0x1400  }
.LBB2_1:
0x14: {  	[spmem:s13], [sflag:s12] =	dma.local [hbm:s11], $0x2780  }
0x15: {  	_ =	swait.ge [sflag:s14], $0x2780  }
0x16: {  	[sflag:s14] =	ssyncset.done $0x0  }
0x17: {  	[sflag:s14] =	ssyncadd.s32 $0xFFFFD880  }
0x18: {  	[bflag:$0x0] =	sbarrier.arrive $0xFFFF  }
0x19: {  	[tilespmem:s3], [sflag:$0x3] =	stream.linear.gather [hbm4b:s5+s3], $0x1400, $0x38;
	[tilespmem:$0x1E400] =	vst v63  }
0x1a: {  	_ =	swait.ge [sflag:s14], $0x1400  }
0x1b: {  	[sflag:s14] =	ssyncset.done $0x0  }
0x1c: {  	[sflag:s14] =	ssyncadd.s32 $0xFFFFEC00  }
0x1d: {  	[tilespmem:s15], [sflag:$0x3] =	stream.linear.gather [hbm4b:s6+s3], $0x1400, $0x38;
	[tilespmem:$0x1E400] =	vst v63  }
0x1e: {  	_ =	swait.ge [sflag:s14], $0x1400  }
0x1f: {  	[sflag:s14] =	ssyncset.done $0x0  }
0x20: {  	[sflag:s14] =	ssyncadd.s32 $0xFFFFEC00  }
0x21: {  	[tilespmem:s17], [sflag:$0x1] =	stream.indirect.gather [hbm4b:s4+s16], $0x80, s3, s16, $0xb8;
	[tilespmem:$0x1E400] =	vst v63  }
0x22: {  	_ =	swait.ge [sflag:s18], $0x4000  }
0x23: {  	[sflag:s18] =	ssyncset.done $0x0  }
0x24: {  	s25 =	simm.s32 $0x80;
	[sflag:s18] =	ssyncadd.s32 $0xFFFFC000  }
0x25: {  	[tilespmem:s19], [sflag:$0x2] =	stream.indirect.gather [hbm4b:s4+s16], $0x80, s25, s16, $0xb8;
	[tilespmem:$0x1E400] =	vst v63  }
0x26: {  	s29 =	simm.s32 $0x1400  }
0x27: {  	[spmem:s1] =	stream.indirect.scatter.add.f32 [tilespmem:s17], [sflag:$0x3], $0x80, s29, s16, $0xb8;
	[tilespmem:$0x1E400] =	vst v63  }
0x28: {  	_ =	swait.ge [sflag:s14], $0x4000  }
0x29: {  	[sflag:s14] =	ssyncset.done $0x0  }
0x2a: {  	s30 =	simm.s32 $0x100;
	[sflag:s14] =	ssyncadd.s32 $0xFFFFC000  }
0x2b: {  	[tilespmem:s17], [sflag:$0x1] =	stream.indirect.gather [hbm4b:s4+s16], $0x80, s30, s16, $0xb8;
	[tilespmem:$0x1E400] =	vst v63  }
0x2c: {  	_ =	swait.ge [sflag:s20], $0x4000  }
0x2d: {  	[sflag:s20] =	ssyncset.done $0x0  }
0x2e: {  	s31 =	simm.s32 $0x1480;
	[sflag:s20] =	ssyncadd.s32 $0xFFFFC000  }
0x2f: {  	[spmem:s1] =	stream.indirect.scatter.add.f32 [tilespmem:s19], [sflag:$0x3], $0x80, s31, s16, $0xb8;
	[tilespmem:$0x1E400] =	vst v63  }
0x30: {  	_ =	swait.ge [sflag:s14], $0x4000  }
0x31: {  	s25 =	simm.s32 $0x400;
	[sflag:s14] =	ssyncset.done $0x0  }
.LBB2_2:
0x32: {  	p0 =	sne.s32 s25, $0x4800  }
0x33: {  	[sflag:s14] =	ssyncadd.s32 $0xFFFFC000;
	s26 =	smov.u32 s25;
	s25 =	sadd.s32 $0x400, s25  }
0x34: {  	_ =	swait.ge [sflag:s18], $0x4000  }
0x35: {  	s26 =	sshra.s32 s26, $0x2;
	[sflag:s18] =	ssyncset.done $0x0  }
0x36: {  	s28 =	sadd.s32 $0x80, s26;
	[sflag:s18] =	ssyncadd.s32 $0xFFFFC000  }
0x37: {  	[tilespmem:s19], [sflag:$0x2] =	stream.indirect.gather [hbm4b:s4+s16], $0x80, s28, s16, $0xb8;
	[tilespmem:$0x1E400] =	vst v63  }
0x38: {  	s28 =	sadd.s32 $0x1400, s26  }
0x39: {  	[spmem:s1] =	stream.indirect.scatter.add.f32 [tilespmem:s17], [sflag:$0x3], $0x80, s28, s16, $0xb8;
	[tilespmem:$0x1E400] =	vst v63  }
0x3a: {  	_ =	swait.ge [sflag:s14], $0x4000  }
0x3b: {  	[sflag:s14] =	ssyncset.done $0x0  }
0x3c: {  	s28 =	sadd.s32 $0x100, s26;
	[sflag:s14] =	ssyncadd.s32 $0xFFFFC000  }
0x3d: {  	[tilespmem:s17], [sflag:$0x1] =	stream.indirect.gather [hbm4b:s4+s16], $0x80, s28, s16, $0xb8;
	[tilespmem:$0x1E400] =	vst v63  }
0x3e: {  	_ =	swait.ge [sflag:s20], $0x4000  }
.Ltmp0:
0x3f: {  	[sflag:s20] =	ssyncset.done $0x0;
	(pc) =	sbr.rel @p0 .LBB2_2-.Ltmp0, $4  }
0x40: {  	s26 =	sadd.s32 $0x1480, s26;
	[sflag:s20] =	ssyncadd.s32 $0xFFFFC000  }
0x41: {  	[spmem:s1] =	stream.indirect.scatter.add.f32 [tilespmem:s19], [sflag:$0x3], $0x80, s26, s16, $0xb8;
	[tilespmem:$0x1E400] =	vst v63  }
0x42: {  	_ =	swait.ge [sflag:s14], $0x4000  }
0x43: {  	[sflag:s14] =	ssyncset.done $0x0  }
0x44: {  	[sflag:s14] =	ssyncadd.s32 $0xFFFFC000  }
0x45: {  	_ =	swait.ge [sflag:s18], $0x4000  }
0x46: {  	[sflag:s18] =	ssyncset.done $0x0  }
0x47: {  	[sflag:s18] =	ssyncadd.s32 $0xFFFFC000  }
0x48: {  	[tilespmem:s19], [sflag:$0x2] =	stream.indirect.gather [hbm4b:s4+s16], $0x80, s21, s16, $0xb8;
	[tilespmem:$0x1E400] =	vst v63  }
0x49: {  	_ = 	snop  }
0x4a: {  	[spmem:s1] =	stream.indirect.scatter.add.f32 [tilespmem:s17], [sflag:$0x3], $0x80, s22, s16, $0xb8;
	[tilespmem:$0x1E400] =	vst v63  }
0x4b: {  	_ =	swait.ge [sflag:s14], $0x4000  }
0x4c: {  	[sflag:s14] =	ssyncset.done $0x0  }
0x4d: {  	[sflag:s14] =	ssyncadd.s32 $0xFFFFC000  }
0x4e: {  	_ =	swait.ge [sflag:s20], $0x4000  }
0x4f: {  	[sflag:s20] =	ssyncset.done $0x0  }
0x50: {  	[sflag:s20] =	ssyncadd.s32 $0xFFFFC000  }
0x51: {  	[spmem:s1] =	stream.indirect.scatter.add.f32 [tilespmem:s19], [sflag:$0x3], $0x80, s23, s16, $0xb8;
	[tilespmem:$0x1E400] =	vst v63  }
0x52: {  	_ =	swait.ge [sflag:s14], $0x4000  }
0x53: {  	[sflag:s14] =	ssyncset.done $0x0  }
0x54: {  	s25 =	simm.s32 $0x0;
	[sflag:s14] =	ssyncadd.s32 $0xFFFFC000  }
0x55: {  	[tilespmem:s25], [sflag:$0x3] =	stream.linear.gather [hbm4b:s7+s25], $0x1400, $0x38;
	[tilespmem:$0x1E400] =	vst v63  }
0x56: {  	_ =	swait.ge [sflag:s14], $0x1400  }
0x57: {  	[sflag:s14] =	ssyncset.done $0x0  }
0x58: {  	[sflag:s14] =	ssyncadd.s32 $0xFFFFEC00  }
0x59: {  	[tilespmem:s15], [sflag:$0x3] =	stream.linear.gather [hbm4b:s8+s25], $0x1400, $0x38;
	[tilespmem:$0x1E400] =	vst v63  }
0x5a: {  	_ =	swait.ge [sflag:s14], $0x1400  }
0x5b: {  	[sflag:s14] =	ssyncset.done $0x0  }
0x5c: {  	[sflag:s14] =	ssyncadd.s32 $0xFFFFEC00  }
0x5d: {  	[tilespmem:s17], [sflag:$0x1] =	stream.indirect.gather [hbm4b:s4+s16], $0x80, s25, s16, $0xb8;
	[tilespmem:$0x1E400] =	vst v63  }
0x5e: {  	_ =	swait.ge [sflag:s18], $0x4000  }
0x5f: {  	[sflag:s18] =	ssyncset.done $0x0  }
0x60: {  	s28 =	simm.s32 $0x80;
	[sflag:s18] =	ssyncadd.s32 $0xFFFFC000  }
0x61: {  	[tilespmem:s19], [sflag:$0x2] =	stream.indirect.gather [hbm4b:s4+s16], $0x80, s28, s16, $0xb8;
	[tilespmem:$0x1E400] =	vst v63  }
0x62: {  	s29 =	simm.s32 $0x1400  }
0x63: {  	[spmem:s1] =	stream.indirect.scatter.add.f32 [tilespmem:s17], [sflag:$0x3], $0x80, s29, s16, $0xb8;
	[tilespmem:$0x1E400] =	vst v63  }
0x64: {  	_ =	swait.ge [sflag:s14], $0x4000  }
0x65: {  	[sflag:s14] =	ssyncset.done $0x0  }
0x66: {  	s30 =	simm.s32 $0x100;
	[sflag:s14] =	ssyncadd.s32 $0xFFFFC000  }
0x67: {  	[tilespmem:s17], [sflag:$0x1] =	stream.indirect.gather [hbm4b:s4+s16], $0x80, s30, s16, $0xb8;
	[tilespmem:$0x1E400] =	vst v63  }
0x68: {  	_ =	swait.ge [sflag:s20], $0x4000  }
0x69: {  	[sflag:s20] =	ssyncset.done $0x0  }
0x6a: {  	s31 =	simm.s32 $0x1480;
	[sflag:s20] =	ssyncadd.s32 $0xFFFFC000  }
0x6b: {  	[spmem:s1] =	stream.indirect.scatter.add.f32 [tilespmem:s19], [sflag:$0x3], $0x80, s31, s16, $0xb8;
	[tilespmem:$0x1E400] =	vst v63  }
0x6c: {  	_ =	swait.ge [sflag:s14], $0x4000  }
0x6d: {  	s25 =	simm.s32 $0x400;
	[sflag:s14] =	ssyncset.done $0x0  }
.LBB2_4:
0x6e: {  	p0 =	sne.s32 s25, $0x4800  }
0x6f: {  	[sflag:s14] =	ssyncadd.s32 $0xFFFFC000;
	s26 =	smov.u32 s25;
	s25 =	sadd.s32 $0x400, s25  }
0x70: {  	_ =	swait.ge [sflag:s18], $0x4000  }
0x71: {  	s26 =	sshra.s32 s26, $0x2;
	[sflag:s18] =	ssyncset.done $0x0  }
0x72: {  	s28 =	sadd.s32 $0x80, s26;
	[sflag:s18] =	ssyncadd.s32 $0xFFFFC000  }
0x73: {  	[tilespmem:s19], [sflag:$0x2] =	stream.indirect.gather [hbm4b:s4+s16], $0x80, s28, s16, $0xb8;
	[tilespmem:$0x1E400] =	vst v63  }
0x74: {  	s28 =	sadd.s32 $0x1400, s26  }
0x75: {  	[spmem:s1] =	stream.indirect.scatter.add.f32 [tilespmem:s17], [sflag:$0x3], $0x80, s28, s16, $0xb8;
	[tilespmem:$0x1E400] =	vst v63  }
0x76: {  	_ =	swait.ge [sflag:s14], $0x4000  }
0x77: {  	[sflag:s14] =	ssyncset.done $0x0  }
0x78: {  	s28 =	sadd.s32 $0x100, s26;
	[sflag:s14] =	ssyncadd.s32 $0xFFFFC000  }
0x79: {  	[tilespmem:s17], [sflag:$0x1] =	stream.indirect.gather [hbm4b:s4+s16], $0x80, s28, s16, $0xb8;
	[tilespmem:$0x1E400] =	vst v63  }
0x7a: {  	_ =	swait.ge [sflag:s20], $0x4000  }
.Ltmp1:
0x7b: {  	[sflag:s20] =	ssyncset.done $0x0;
	(pc) =	sbr.rel @p0 .LBB2_4-.Ltmp1, $4  }
0x7c: {  	s26 =	sadd.s32 $0x1480, s26;
	[sflag:s20] =	ssyncadd.s32 $0xFFFFC000  }
0x7d: {  	[spmem:s1] =	stream.indirect.scatter.add.f32 [tilespmem:s19], [sflag:$0x3], $0x80, s26, s16, $0xb8;
	[tilespmem:$0x1E400] =	vst v63  }
0x7e: {  	_ =	swait.ge [sflag:s14], $0x4000  }
0x7f: {  	[sflag:s14] =	ssyncset.done $0x0  }
0x80: {  	[sflag:s14] =	ssyncadd.s32 $0xFFFFC000  }
0x81: {  	_ =	swait.ge [sflag:s18], $0x4000  }
0x82: {  	[sflag:s18] =	ssyncset.done $0x0  }
0x83: {  	[sflag:s18] =	ssyncadd.s32 $0xFFFFC000  }
0x84: {  	[tilespmem:s19], [sflag:$0x2] =	stream.indirect.gather [hbm4b:s4+s16], $0x80, s21, s16, $0xb8;
	[tilespmem:$0x1E400] =	vst v63  }
0x85: {  	_ = 	snop  }
0x86: {  	[spmem:s1] =	stream.indirect.scatter.add.f32 [tilespmem:s17], [sflag:$0x3], $0x80, s22, s16, $0xb8;
	[tilespmem:$0x1E400] =	vst v63  }
0x87: {  	_ =	swait.ge [sflag:s14], $0x4000  }
0x88: {  	[sflag:s14] =	ssyncset.done $0x0  }
0x89: {  	[sflag:s14] =	ssyncadd.s32 $0xFFFFC000  }
0x8a: {  	_ =	swait.ge [sflag:s20], $0x4000  }
0x8b: {  	[sflag:s20] =	ssyncset.done $0x0  }
0x8c: {  	[sflag:s20] =	ssyncadd.s32 $0xFFFFC000  }
0x8d: {  	[spmem:s1] =	stream.indirect.scatter.add.f32 [tilespmem:s19], [sflag:$0x3], $0x80, s23, s16, $0xb8;
	[tilespmem:$0x1E400] =	vst v63  }
0x8e: {  	_ =	swait.ge [sflag:s14], $0x4000  }
0x8f: {  	s24 =	sadd.s32 $0x1, s24;
	[sflag:s14] =	ssyncset.done $0x0  }
0x90: {  	p0 =	sne.s32 s24, s10;
	[sflag:s14] =	ssyncadd.s32 $0xFFFFC000  }
.Ltmp2:
0x91: {  	[bflag:$0x0] =	sbarrier.arrive $0xFFFF;
	(pc) =	sbr.rel @p0 .LBB2_1-.Ltmp2, $4  }
0x92: {  	[hbm:s9], [sflag:s12] =	dma.local [spmem:s13], $0x2780  }
0x93: {  	_ =	swait.ge [sflag:s14], $0x2780  }
0x94: {  	[sflag:s14] =	ssyncset.done $0x0  }
0x95: {  	[sflag:s14] =	ssyncadd.s32 $0xFFFFD880  }
0x96: {  	_ =	sfence.sel $0x180000  }
0x97: {  	[bflag:$0x0] =	sbarrier.arrive $0xFFFF  }
0x98: {  	p0 =	sne.s32 s2, $0x0;
	_ =	strace $0x9000004D  }
0x99: {  	s0 =	sadd.s32 @!p0 $0x100000, s0;
	[bflag:$0x2] =	sbarrier.arrive $0xFFFF  }
0x9a: {  	[sflag:s0] =	ssyncadd.tile.s32 @!p0 $0x1;
	_ =	shalt  }
.Lfunc_end2:
_tile_overlayer_lowered:
.L_overlay_start_2:
0x9b: {  	(tag) =	ssettag $0x2  }
0x9c: {  	s0 =	rddreg [dreg:$0x0];
	s2 =	stileid.u32  }
0x9d: {  	s1 =	rddreg [dreg:$0x1];
	p0 =	sne.s32 s2, $0x0  }
0x9e: {  	s3 =	rddreg [dreg:$0x2];
	[bflag:$0x3] =	sbarrier.arrive $0xFFFF;
	s2 =	simm.s32 @!p0 $0x1C03  }
0x9f: {  	[timem:s3], [sflag:s2] =	dma.local @!p0 [hbm:s0], s1  }
0xa0: {  	s0 =	simm.s32 @!p0 $0x3  }
0xa1: {  	_ =	swait.ge @!p0 [sflag:s0], s1  }
0xa2: {  	s1 =	ssub.s32 @!p0 $0x0, s1;
	[sflag:s0] =	ssyncset.done @!p0 $0x0  }
0xa3: {  	[sflag:s0] =	ssyncadd.s32 @!p0 s1  }
0xa4: {  	[bflag:$0x3] =	sbarrier.arrive $0xFFFF  }
0xa5: {  	_ =	shalt  }

// kernel: kernel.9.cloned.1.call-start
scs
__scs_entry_jumppad:
0x0: {  	(pc) =	sbr.rel $0x88, $3  }
0x1: {  	(tag) =	ssettag $0x0;
	lr =	simm.s32 $0x1  }
0x2: {  	[smem:$0x3F98] =	sst lr;
	_ =	strace $0xD0000000  }
0x3: {  	_ = 	snop  }
0x4: {  	_ = 	snop  }
0x5: {  	_ = 	snop  }
0x6: {  	_ = 	snop  }
0x7: {  	_ = 	snop  }
__scs_overlays_trampoline_lowered:
0x8: {  	[smem:$0x3FA7] =	sst s0  }
0x9: {  	[smem:$0x3FA8] =	sst s1  }
0xa: {  	[smem:$0x3FA9] =	sst s2  }
0xb: {  	[smem:$0x3FAA] =	sst s3  }
0xc: {  	[smem:$0x3FAB] =	sst s4  }
0xd: {  	[smem:$0x3FAC] =	sst s5  }
0xe: {  	[smem:$0x3FAD] =	sst s6  }
0xf: {  	[smem:$0x3FAE] =	sst s7  }
0x10: {  	[smem:$0x3FAF] =	sst s8  }
0x11: {  	[smem:$0x3FB0] =	sst s9;
	s0 =	simm.s32 @!p0 $0x0  }
0x12: {  	s1 =	sld [smem:$0x3F96];
	s0 =	simm.s32 @p0 $0x1  }
0x13: {  	[smem:$0x3FB1] =	sst s0;
	s0 =	simm.s32 @!p1 $0x0  }
0x14: {  	s2 =	sld [smem:$0x3F95];
	s0 =	simm.s32 @p1 $0x1  }
0x15: {  	[smem:$0x3FB2] =	sst s0;
	s0 =	simm.s32 @!p2 $0x0  }
0x16: {  	s3 =	sld [smem:$0x3FDB];
	s0 =	simm.s32 @p2 $0x1  }
0x17: {  	s4 =	simm.s32 $0x1BF5;
	[smem:$0x3FB4] =	sst s0  }
0x18: {  	s0 =	sld [smem:$0x3F97];
	_ =	swait.ge [sflag:s4], $0x0  }
0x19: {  	s7 =	sld [smem:$0x3F98]  }
0x1a: {  	s8 =	sadd.s32 $0xFFFFE003, lr  }
0x1b: {  	s9 =	sadd.s32 $0xFFFFFEF7, lr;
	s5 =	simm.s32 $0xFFFFFFFF;
	p2 =	slt.u32 s8, $0xFFFFF086  }
0x1c: {  	p1 =	slt.u32 s9, $0xF7A;
	s5 =	simm.s32 @!p2 $0x0  }
0x1d: {  	s5 =	simm.s32 @p1 $0x1;
	p0 =	seq.s32 s7, s2  }
0x1e: {  	s7 =	smul.u32 @!p0 $0xF7A, s2;
	p2 =	seq.s32 @!p0 s5, $0x0  }
0x1f: {  	s9 =	smul.u32 $0xF7A, s1;
	s8 =	simm.s32 @!p0 $0x1BF5;
	p2 =	por !p2, p0  }
0x20: {  	[sflag:s8] =	ssyncset.s32 @!p0 $0xFFFFF086;
	s6 =	sadd.s32 @!p0 s3, s7;
	s7 =	simm.s32 @!p0 $0x108  }
0x21: {  	s3 =	sadd.s32 s3, s9;
	s6 =	sadd.s32 @!p0 $0x88, s6;
	s7 =	simm.s32 @p2 $0x1082  }
0x22: {  	[simem:s7], [sflag:s8] =	dma.local @!p0 [hbm:s6], $0xF7A  }
0x23: {  	s9 =	sor.u32 $0xD0000000, s2;
	s6 =	simm.s32 $0x108;
	_ =	swait.ge @!p0 [sflag:s8], $0x0  }
0x24: {  	s3 =	sadd.s32 $0x88, s3;
	s6 =	simm.s32 @!p1 $0x1082;
	[sflag:s4] =	ssyncset.s32 $0xFFFFF086  }
0x25: {  	[simem:s6], [sflag:s4] =	dma.local [hbm:s3], $0xF7A  }
0x26: {  	[smem:$0x3F98] =	sst s1;
	(tag) =	ssettag s2;
	_ =	strace s9  }
0x27: {  	s1 =	sld [smem:$0x3FA8]  }
0x28: {  	s2 =	sld [smem:$0x3FA9]  }
0x29: {  	s4 =	sld [smem:$0x3FAB]  }
0x2a: {  	p0 =	seq.s32 s5, $0x0;
	s5 =	sld [smem:$0x3FAC]  }
0x2b: {  	s6 =	sld [smem:$0x3FAD]  }
0x2c: {  	s7 =	sld [smem:$0x3FAE]  }
0x2d: {  	s3 =	simm.s32 $0x108;
	s8 =	sld [smem:$0x3FAF]  }
0x2e: {  	s3 =	simm.s32 @!p0 $0x1082;
	s9 =	sld [smem:$0x3FB0]  }
0x2f: {  	lr =	sadd.s32 s0, s3;
	s0 =	sld [smem:$0x3FA7]  }
0x30: {  	s3 =	sld [smem:$0x3FAA]  }
0x31: {  	[smem:$0x3FB3] =	sst s10  }
0x32: {  	s10 =	sld [smem:$0x3FB1];
	_ =	sdelay $0x3  }
0x33: {  	p0 =	seq.s32 s10, $0x1;
	s10 =	sld [smem:$0x3FB3];
	_ =	sdelay $0x3  }
0x34: {  	[smem:$0x3FB3] =	sst s10  }
0x35: {  	s10 =	sld [smem:$0x3FB2];
	_ =	sdelay $0x3  }
0x36: {  	p1 =	seq.s32 s10, $0x1;
	s10 =	sld [smem:$0x3FB3];
	_ =	sdelay $0x3  }
0x37: {  	[smem:$0x3FB3] =	sst s10  }
0x38: {  	s10 =	sld [smem:$0x3FB4]  }
0x39: {  	_ = 	snop;
	(pc) =	sbr.ind lr, $3  }
0x3a: {  	_ = 	snop  }
0x3b: {  	_ = 	snop  }
0x3c: {  	p2 =	seq.s32 s10, $0x1;
	s10 =	sld [smem:$0x3FB3]  }
0x3d: {  	_ =	shalt  }
0x3e: {  	_ =	shalt  }
0x3f: {  	_ =	shalt  }
0x40: {  	_ =	shalt  }
0x41: {  	_ =	shalt  }
0x42: {  	_ =	shalt  }
0x43: {  	_ =	shalt  }
0x44: {  	_ =	shalt  }
0x45: {  	_ =	shalt  }
0x46: {  	_ =	shalt  }
0x47: {  	_ =	shalt  }
0x48: {  	_ =	shalt  }
0x49: {  	_ =	shalt  }
0x4a: {  	_ =	shalt  }
0x4b: {  	_ =	shalt  }
0x4c: {  	_ =	shalt  }
0x4d: {  	_ =	shalt  }
0x4e: {  	_ =	shalt  }
0x4f: {  	_ =	shalt  }
0x50: {  	_ =	shalt  }
0x51: {  	_ =	shalt  }
0x52: {  	_ =	shalt  }
0x53: {  	_ =	shalt  }
0x54: {  	_ =	shalt  }
0x55: {  	_ =	shalt  }
0x56: {  	_ =	shalt  }
0x57: {  	_ =	shalt  }
0x58: {  	_ =	shalt  }
0x59: {  	_ =	shalt  }
0x5a: {  	_ =	shalt  }
0x5b: {  	_ =	shalt  }
0x5c: {  	_ =	shalt  }
0x5d: {  	_ =	shalt  }
0x5e: {  	_ =	shalt  }
0x5f: {  	_ =	shalt  }
0x60: {  	_ =	shalt  }
0x61: {  	_ =	shalt  }
0x62: {  	_ =	shalt  }
0x63: {  	_ =	shalt  }
0x64: {  	_ =	shalt  }
0x65: {  	_ =	shalt  }
0x66: {  	_ =	shalt  }
0x67: {  	_ =	shalt  }
0x68: {  	_ =	shalt  }
0x69: {  	_ =	shalt  }
0x6a: {  	_ =	shalt  }
0x6b: {  	_ =	shalt  }
0x6c: {  	_ =	shalt  }
0x6d: {  	_ =	shalt  }
0x6e: {  	_ =	shalt  }
0x6f: {  	_ =	shalt  }
0x70: {  	_ =	shalt  }
0x71: {  	_ =	shalt  }
0x72: {  	_ =	shalt  }
0x73: {  	_ =	shalt  }
0x74: {  	_ =	shalt  }
0x75: {  	_ =	shalt  }
0x76: {  	_ =	shalt  }
0x77: {  	_ =	shalt  }
0x78: {  	_ =	shalt  }
0x79: {  	_ =	shalt  }
0x7a: {  	_ =	shalt  }
0x7b: {  	_ =	shalt  }
0x7c: {  	_ =	shalt  }
0x7d: {  	_ =	shalt  }
0x7e: {  	_ =	shalt  }
0x7f: {  	_ =	shalt  }
0x80: {  	_ =	shalt  }
0x81: {  	_ =	shalt  }
0x82: {  	_ =	shalt  }
0x83: {  	_ =	shalt  }
0x84: {  	_ =	shalt  }
0x85: {  	_ =	shalt  }
0x86: {  	_ =	shalt  }
0x87: {  	_ =	shalt  }
.Lfunc_end0:
.L_simem_size_0:
called_computation_lowered:
.L_overlay_start_0:
0x88: {  	s2 =	sld [smem:$0x3FD9]  }
0x89: {  	s3 =	sld [smem:$0x3FFE];
	_ =	sdelay $0x1  }
0x8a: {  	s1 =	srdreg.scid  }
0x8b: {  	s0 =	sand.u32 $0x1, s1  }
0x8c: {  	s16 =	sshll.u32 s0, $0xA;
	s2 =	sadd.s32 s3, s2  }
0x8d: {  	s2 =	sadd.s32 s2, s16  }
0x8e: {  	[smem:$0x3FBF] =	sst s2  }
0x8f: {  	_ = 	snop  }
0x90: {  	(tm) =	ssettm $0x1  }
0x91: {  	s17 =	sld [smem:$0x3FFB];
	_ =	sdelay $0x3  }
0x92: {  	_ =	strace s17  }
0x93: {  	s2 =	sld [smem:$0x3FFC];
	_ =	sdelay $0x3  }
0x94: {  	_ =	strace s2  }
0x95: {  	s2 =	sld [smem:$0x3FFD];
	_ =	sdelay $0x3  }
0x96: {  	_ =	strace s2  }
0x97: {  	_ =	strace $0x8FFFFFFF  }
0x98: {  	s18 =	sld [smem:$0x3FDB];
	_ =	sdelay $0x1  }
0x99: {  	s19 =	simm.s32 $_scs_section_size  }
0x9a: {  	s4 =	simm.s32 $_size__tile_overlayer_lowered;
	s5 =	simm.s32 $_tile_overlayer_lowered  }
0x9b: {  	s22 =	simm.s32 $0x1BFF;
	s21 =	sshll.u32 s5, $0x1;
	s2 =	sadd.s32 s19, s18  }
0x9c: {  	s6 =	simm.s32 $0x0;
	s20 =	sshll.u32 s4, $0x1;
	s4 =	sadd.s32 s21, s2  }
0x9d: {  	[timem:s6], [sflag:s22] =	dma.local [hbm:s4], s20  }
0x9e: {  	_ =	swait.ge [sflag:s22], s20  }
0x9f: {  	s3 =	ssub.s32 $0x0, s20;
	[sflag:s22] =	ssyncset.done $0x0  }
0xa0: {  	[sflag:s22] =	ssyncadd.s32 s3;
	_ =	sdelay $0x1  }
0xa1: {  	s23 =	simm.s32 $0x1B8B  }
0xa2: {  	_ =	swait.ge [sflag:s23], $0x1  }
0xa3: {  	[sflag:s23] =	ssyncset.done $0x0  }
0xa4: {  	s25 =	simm.s32 $0x1B8E;
	s24 =	sld [smem:$0x3FFE];
	[sflag:s23] =	ssyncadd.s32 $0xFFFFFFFF  }
0xa5: {  	s26 =	simm.s32 $execute0_lowered;
	[smem:$0x3FD2] =	sst s25  }
0xa6: {  	s4 =	sshll.u32 s26, $0x1;
	_ =	strace $0x80000046;
	[dreg:$0x1] =	wrdreg $0xFFFFFFFF  }
0xa7: {  	s28 =	simm.s32 $_size_execute0_lowered;
	s2 =	sadd.s32 s2, s4;
	[dreg:$0x0] =	wrdreg $0x0  }
0xa8: {  	s4 =	sshll.u32 s28, $0x1;
	[dreg:$0x2] =	wrdreg s2  }
0xa9: {  	[dreg:$0x3] =	wrdreg s4  }
0xaa: {  	[dreg:$0x4] =	wrdreg $0xC0  }
0xab: {  	_ =	task [dreg:s6], $0x5FFFF  }
0xac: {  	[dreg:$0x1] =	wrdreg $0xFFFFFFFF  }
0xad: {  	[dreg:$0x0] =	wrdreg $0x60  }
0xae: {  	[dreg:$0x2] =	wrdreg s24  }
0xaf: {  	[dreg:$0x3] =	wrdreg $0x28800  }
0xb0: {  	[dreg:$0x4] =	wrdreg $0x9  }
0xb1: {  	_ =	task.clear_ibuf [dreg:s6], $0x5FFFF;
	_ =	strace $0x90000046  }
0xb2: {  	s29 =	simm.s32 $0x9;
	_ =	strace $0x80000048  }
0xb3: {  	_ =	swait.ge [sflag:s29], $0x1  }
0xb4: {  	[sflag:s29] =	ssyncadd.s32 $0xFFFFFFFF  }
0xb5: {  	_ =	strace $0x90000048  }
0xb6: {  	_ =	sfence  }
0xb7: {  	s30 =	sld [smem:$0x0];
	_ =	sdelay $0x2  }
0xb8: {  	s31 =	sshll.u32 s1, $0xD;
	s1 =	sshrl.u32 s1, $0x2  }
0xb9: {  	s3 =	sand.u32 $0x4000, s31;
	s1 =	sadd.s32 s1, s30  }
0xba: {  	s0 =	sor.u32 s3, s0;
	s1 =	sshll.u32 s1, $0x11  }
0xbb: {  	s0 =	sor.u32 s1, s0  }
0xbc: {  	s0 =	sadd.s32 $0x8F2B, s0  }
0xbd: {  	[sflag:s0] =	ssyncadd.remote.s32 $0x1  }
0xbe: {  	_ =	sfence.sel $0xFFFF  }
0xbf: {  	[dreg:$0x0] =	wrdreg $0xFFFFFFFF;
	(pc) =	sbr.abs _section_cstart, $3  }
0xc0: {  	[dreg:$0x1] =	wrdreg $0xFFFFFFFF  }
0xc1: {  	_ =	task.clear_ibuf [dreg:s6], $0x2FFFF;
	_ =	strace $0x9FFFFFFF  }
0xc2: {  	(tm) =	ssettm $0x7FFFFFFF  }
0xc3: {  	_ =	shalt  }
tec
execute0_lowered:
.L_overlay_start_1:
0x0: {  	(tag) =	ssettag $0x1  }
0x1: {  	s0 =	srdreg.scid  }
0x2: {  	s4 =	rddreg [dreg:$0x0];
	s6 =	stileid.u32  }
0x3: {  	s1 =	rddreg [dreg:$0x1];
	s2 =	simm.s32 $0x0;
	s10 =	simm.s32 $0x2800  }
0x4: {  	s11 =	simm.s32 $0x0;
	s3 =	sand.u32 $0x1, s0;
	s0 =	rddreg [dreg:$0x2]  }
0x5: {  	[smem:$0x7FF] =	sst s2;
	p0 =	sne.s32 s6, $0x0;
	s5 =	sshll.u32 s3, $0x4  }
0x6: {  	s8 =	ssub.s32 $0x2, s3;
	_ =	strace $0x80000047;
	s7 =	sor.u32 s6, s5  }
0x7: {  	s9 =	sshrl.u32 s8, $0x1;
	s5 =	sadd.s32 s5, s4;
	s7 =	smul.u32 $0x500, s7  }
0x8: {  	s3 =	sadd.s32 $0x16600, s4;
	s8 =	ssub.s32 s8, s9;
	s5 =	sadd.s32 $0x16C00, s5  }
0x9: {  	s9 =	simm.s32 $0x80;
	s6 =	smax.u32 s8, $0x1;
	s7 =	sadd.s32 s7, s4  }
0xa: {  	v0 =	vimm.f32 $1.000000000e+00;
	s8 =	simm.s32 $0x1;
	s4 =	sadd.s32 $0x2600, s7;
	s7 =	sshrl.u32 @!p0 s1, $0x3  }
.LBB2_1:
0xb: {  	[tilespmem:$0x2800] =	vst v0  }
0xc: {  	[tilespmem:$0x2810] =	vst v0  }
0xd: {  	[tilespmem:$0x2820] =	vst v0  }
0xe: {  	[tilespmem:$0x2830] =	vst v0  }
0xf: {  	[tilespmem:$0x2840] =	vst v0  }
0x10: {  	[tilespmem:$0x2850] =	vst v0  }
0x11: {  	[tilespmem:$0x2860] =	vst v0  }
0x12: {  	[tilespmem:$0x2870] =	vst v0;
	s12 =	simm.s32 @!p0 $0x1C01  }
0x13: {  	[spmem:s7], [sflag:s12] =	dma.local @!p0 [hbm:s3], $0x4F0  }
0x14: {  	s12 =	simm.s32 @!p0 $0x1  }
0x15: {  	_ =	swait.ge @!p0 [sflag:s12], $0x4F0  }
0x16: {  	[sflag:s12] =	ssyncset.done @!p0 $0x0  }
0x17: {  	[sflag:s12] =	ssyncadd.s32 @!p0 $0xFFFFFB10  }
0x18: {  	[tilespmem:s2], [sflag:$0x1] =	stream.linear.gather [hbm4b:s4+s2], $0x2800, $0x38;
	[tilespmem:$0x2AF8] =	vst v63  }
0x19: {  	_ =	swait.ge [sflag:s8], $0x2800  }
0x1a: {  	[sflag:s8] =	ssyncset.done $0x0  }
0x1b: {  	[sflag:s8] =	ssyncadd.s32 $0xFFFFD800  }
0x1c: {  	s31 =	simm.s32 $0x0;
	[bflag:$0x0] =	sbarrier.arrive $0xFFFF  }
0x1d: {  	[spmem:s1] =	stream.indirect.scatter.add.f32 [tilespmem:s10], [sflag:$0x1], $0x1, s31, s9, $0xb8;
	[tilespmem:$0x2AF8] =	vst v63  }
0x1e: {  	_ =	swait.ge [sflag:s8], $0x80  }
0x1f: {  	s12 =	simm.s32 $0x200;
	[sflag:s8] =	ssyncset.done $0x0  }
.LBB2_2:
0x20: {  	s13 =	sshra.s32 s12, $0x2;
	[sflag:s8] =	ssyncadd.s32 $0xFFFFFF80;
	p1 =	sne.s32 s12, $0x9E00  }
0x21: {  	[spmem:s1] =	stream.indirect.scatter.add.f32 [tilespmem:s10], [sflag:$0x1], $0x1, s13, s9, $0xb8;
	[tilespmem:$0x2AF8] =	vst v63  }
.Ltmp0:
0x22: {  	_ = 	snop;
	(pc) =	sbr.rel @p1 .LBB2_2-.Ltmp0, $4  }
0x23: {  	_ = 	snop  }
0x24: {  	s12 =	sadd.s32 $0x200, s12  }
0x25: {  	_ =	swait.ge [sflag:s8], $0x80  }
0x26: {  	[sflag:s8] =	ssyncset.done $0x0  }
0x27: {  	[sflag:s8] =	ssyncadd.s32 $0xFFFFFF80;
	s12 =	simm.s32 @!p0 $0x1;
	s11 =	sadd.s32 $0x1, s11  }
0x28: {  	s13 =	simm.s32 @!p0 $0x20;
	s14 =	simm.s32 @!p0 $0x10;
	p1 =	sne.s32 s11, s6  }
.Ltmp1:
0x29: {  	s15 =	simm.s32 @!p0 $0x1C01;
	[bflag:$0x0] =	sbarrier.arrive $0xFFFF;
	(pc) =	sbr.rel @p1 .LBB2_1-.Ltmp1, $4  }
0x2a: {  	[hbm:s5@s13], [sflag:s15] =	dma.strided @!p0 [spmem:s7@s14], $0x4F0, s12, $0x10   }
0x2b: {  	_ =	swait.ge @!p0 [sflag:s12], $0x4F0  }
0x2c: {  	[sflag:s12] =	ssyncset.done @!p0 $0x0  }
0x2d: {  	[sflag:s12] =	ssyncadd.s32 @!p0 $0xFFFFFB10  }
0x2e: {  	_ =	sfence.sel $0x180000  }
0x2f: {  	[bflag:$0x0] =	sbarrier.arrive $0xFFFF  }
0x30: {  	_ =	strace $0x90000047  }
0x31: {  	s0 =	sadd.s32 @!p0 $0x100000, s0;
	[bflag:$0x2] =	sbarrier.arrive $0xFFFF  }
0x32: {  	[sflag:s0] =	ssyncadd.tile.s32 @!p0 $0x1;
	_ =	shalt  }
.Lfunc_end2:
_tile_overlayer_lowered:
.L_overlay_start_2:
0x33: {  	(tag) =	ssettag $0x2  }
0x34: {  	s0 =	rddreg [dreg:$0x0];
	s2 =	stileid.u32  }
0x35: {  	s1 =	rddreg [dreg:$0x1];
	p0 =	sne.s32 s2, $0x0  }
0x36: {  	s3 =	rddreg [dreg:$0x2];
	[bflag:$0x3] =	sbarrier.arrive $0xFFFF;
	s2 =	simm.s32 @!p0 $0x1C01  }
0x37: {  	[timem:s3], [sflag:s2] =	dma.local @!p0 [hbm:s0], s1  }
0x38: {  	s0 =	simm.s32 @!p0 $0x1  }
0x39: {  	_ =	swait.ge @!p0 [sflag:s0], s1  }
0x3a: {  	s1 =	ssub.s32 @!p0 $0x0, s1;
	[sflag:s0] =	ssyncset.done @!p0 $0x0  }
0x3b: {  	[sflag:s0] =	ssyncadd.s32 @!p0 s1  }
0x3c: {  	[bflag:$0x3] =	sbarrier.arrive $0xFFFF  }
0x3d: {  	_ =	shalt  }

</sc_bundles>
